<compile_context>
chip_gen: v7x
topology: tpu7x:2x2x1
jax: 0.10.2.dev20260603
libtpu: 0.0.44.dev20260713+nightly
codegen_flags: <defaults>
</compile_context>

<pallas_src>
import functools
import math

import numpy as np
import jax
import jax.numpy as jnp
from jax import lax
from jax.experimental import pallas as pl
from jax.experimental.pallas import tpu as pltpu
from jax.experimental.pallas import tpu_sc as plsc

D = 64
SEQ = 200
BW = 128
SCALE = 8.0


def _pos_embedding(max_len, d_model):
    pe = np.zeros((max_len, d_model), dtype=np.float32)
    position = np.arange(0, max_len, dtype=np.float32)[:, None]
    div_term = np.exp(-np.arange(0, d_model, 2, dtype=np.float32)
                      * (math.log(10000.0) / d_model))
    pe[:, 0::2] = np.sin(position * div_term)
    pe[:, 1::2] = np.cos(position * div_term)
    return pe


@functools.lru_cache(maxsize=None)
def _pe_flat_const(seq, d):
    return jnp.asarray(_pos_embedding(800, d)[:seq, :].reshape(-1))


def _make_body(batch):
    info = plsc.get_sparse_core_info()
    nc, ns = info.num_cores, info.num_subcores

    mesh = plsc.VectorSubcoreMesh(core_axis_name="c", subcore_axis_name="s")

    @functools.partial(
        pl.kernel,
        mesh=mesh,
        compiler_params=pltpu.CompilerParams(
            use_tc_tiling_on_sc=True, needs_layout_passes=False),
        out_type=jax.ShapeDtypeStruct((SEQ, D, batch), jnp.float32),
        scratch_types=[
            pltpu.VMEM((SEQ, BW), jnp.int32),
            pltpu.VMEM((SEQ, BW), jnp.int32),
            pltpu.VMEM((BW, BW), jnp.float32),
            pltpu.VMEM((BW, BW), jnp.float32),
            pltpu.VMEM((D, BW), jnp.float32),
            pltpu.VMEM((D, BW), jnp.float32),
            pltpu.VMEM((SEQ * D,), jnp.float32),
            pltpu.VMEM((D, 16), jnp.float32),
            pltpu.SemaphoreType.DMA,
            pltpu.SemaphoreType.DMA,
            pltpu.SemaphoreType.DMA,
            pltpu.SemaphoreType.DMA,
        ],
    )
    def body(table_hbm, xt_hbm, pe_hbm, out_hbm,
             phys_v, par_v, gath0, gath1, stag0, stag1, pe_v, peb_v,
             gsem0, gsem1, osem0, osem1):
        wid = lax.axis_index("s") * nc + lax.axis_index("c")
        col = wid * BW
        pltpu.sync_copy(pe_hbm, pe_v)
        pltpu.sync_copy(xt_hbm.at[:, pl.ds(col, BW)], phys_v)
        lanes = lax.iota(jnp.int32, 16)

        def prep(r, c2):
            for k in range(BW // 16):
                sl = pl.ds(k * 16, 16)
                v = phys_v[r, sl]
                phys_v[r, sl] = lax.shift_right_logical(v, 1)
                par_v[r, sl] = lax.shift_left(lax.bitwise_and(v, 1), 6)
            return c2

        lax.fori_loop(0, SEQ, prep, 0)

        def gather(s, gath, gsem):
            pltpu.make_async_copy(
                table_hbm.at[phys_v.at[s]], gath, gsem).start()

        def put(s, stag, osem):
            pltpu.make_async_copy(
                stag, out_hbm.at[s, :, pl.ds(col, BW)], osem).start()

        def wait_put(s, stag, osem):
            pltpu.make_async_copy(
                stag, out_hbm.at[s, :, pl.ds(col, BW)], osem).wait()

        def compute(s, gath, stag):
            base = jnp.full((16,), s * D, jnp.int32)

            def peb(u, c4):
                pevs = [plsc.load_gather(pe_v, [base + (4 * u + j)])
                        for j in range(4)]
                for j in range(4):
                    peb_v[4 * u + j, :] = pevs[j]
                return c4

            lax.fori_loop(0, D // 4, peb, 0)

            ni = BW // 16
            parv = [par_v[s, pl.ds(i0 * 16, 16)] for i0 in range(ni)]
            rowv = [lanes + i0 * 16 for i0 in range(ni)]

            def dstep(u, c5):
                d0 = 2 * u
                gs = [plsc.load_gather(gath, [rowv[i0], parv[i0] + (d0 + j)])
                      for j in range(2) for i0 in range(ni)]
                pev0 = peb_v[d0, :]
                pev1 = peb_v[d0 + 1, :]
                for i0 in range(ni):
                    stag[d0, pl.ds(i0 * 16, 16)] = gs[i0] * SCALE + pev0
                for i0 in range(ni):
                    stag[d0 + 1, pl.ds(i0 * 16, 16)] = (
                        gs[ni + i0] * SCALE + pev1)
                return c5

            lax.fori_loop(0, D // 2, dstep, 0)

        gather(0, gath0, gsem0)

        def tstep(t, carry):
            s0 = 2 * t
            s1 = 2 * t + 1
            gather(s1, gath1, gsem1)
            pltpu.make_async_copy(
                table_hbm.at[phys_v.at[s0]], gath0, gsem0).wait()

            @pl.when(t > 0)
            def _():
                wait_put(s0 - 2, stag0, osem0)

            compute(s0, gath0, stag0)
            put(s0, stag0, osem0)

            @pl.when(t < SEQ // 2 - 1)
            def _():
                gather(s0 + 2, gath0, gsem0)

            pltpu.make_async_copy(
                table_hbm.at[phys_v.at[s1]], gath1, gsem1).wait()

            @pl.when(t > 0)
            def _():
                wait_put(s1 - 2, stag1, osem1)

            compute(s1, gath1, stag1)
            put(s1, stag1, osem1)
            return carry

        lax.fori_loop(0, SEQ // 2, tstep, 0)
        wait_put(SEQ - 2, stag0, osem0)
        wait_put(SEQ - 1, stag1, osem1)

    return body


def kernel(x, table):
    b, s = x.shape
    nv, d = table.shape
    table128 = table.reshape(nv // 2, 2 * d)
    xt = x.T
    pe = _pe_flat_const(s, d)
    body = _make_body(b)
    out_t = body(table128, xt, pe)
    return out_t.transpose(2, 0, 1)

# --- scband reference (transcript-rebuilt; emitter-appended) ---
"""Pipeline reference for scband-embedding-25907242729920 (READ-ONLY COPY).

The authoritative reference and input builder live on the scoring server;
editing this copy changes nothing except your own understanding.
"""

import jax, jax.numpy as jnp
import numpy as np

NUM_VOCAB = 1000000
D_MODEL = 64
PAD_IDX = 0
BATCH = 4096
SEQ = 200


def position_embedding(max_len, d_model):
    pe = np.zeros((max_len, d_model), dtype=np.float32)
    position = np.arange(0, max_len, dtype=np.float32)[:, None]
    div_term = np.exp(-np.arange(0, d_model, 2, dtype=np.float32) * (np.log(10000.0) / d_model))
    pe[:, 0::2] = np.sin(position * div_term)
    pe[:, 1::2] = np.cos(position * div_term)
    return jnp.asarray(pe)


def setup_inputs(seed: int = 0) -> dict:
    key = jax.random.key(seed)
    k1, k2 = jax.random.split(key)
    x = jax.random.randint(k1, (BATCH, SEQ), 0, NUM_VOCAB, dtype=jnp.int32)
    # xavier-uniform-like init for the embedding table
    limit = float(np.sqrt(6.0 / (NUM_VOCAB + D_MODEL)))
    table = jax.random.uniform(k2, (NUM_VOCAB, D_MODEL), dtype=jnp.float32, minval=-limit, maxval=limit)
    table = table.at[PAD_IDX].set(0.0)  # padding_idx row is zero
    return {"x": x, "table": table}


def reference(x, table):
    # enforce padding_idx semantics (row stays zero)
    table = table.at[PAD_IDX].set(0.0)
    embs = jnp.take(table, x, axis=0) * jnp.sqrt(jnp.float32(D_MODEL))
    pe = position_embedding(800, D_MODEL)[: x.shape[1], :]
    # dropout is identity in eval/reference mode
    return embs + pe[None, :, :]

if __name__ == "__main__":
    import jax
    _d = setup_inputs()
    print(jax.jit(kernel)(*tuple(_d.values())))

</pallas_src>

<mosaic_0001>
#map = affine_map<(d0, d1) -> (0, 0)>
#map1 = affine_map<(d0, d1) -> (0)>
#map2 = affine_map<(d0, d1) -> (0, 0, 0)>
module attributes {stable_mosaic.version = 14 : i64} {
  func.func @body(%arg0: i32, %arg1: i32, %arg2: memref<500000x128xf32, #tpu.memory_space<hbm>>, %arg3: memref<200x4096xi32, #tpu.memory_space<hbm>>, %arg4: memref<12800xf32, #tpu.memory_space<hbm>>, %arg5: memref<200x64x4096xf32, #tpu.memory_space<hbm>>, %arg6: memref<200x128xi32, #tpu.memory_space<vmem>>, %arg7: memref<200x128xi32, #tpu.memory_space<vmem>>, %arg8: memref<128x128xf32, #tpu.memory_space<vmem>>, %arg9: memref<128x128xf32, #tpu.memory_space<vmem>>, %arg10: memref<64x128xf32, #tpu.memory_space<vmem>>, %arg11: memref<64x128xf32, #tpu.memory_space<vmem>>, %arg12: memref<12800xf32, #tpu.memory_space<vmem>>, %arg13: memref<64x16xf32, #tpu.memory_space<vmem>>, %arg14: memref<!tpu.dma_semaphore, #tpu.memory_space<semaphore_mem>>, %arg15: memref<!tpu.dma_semaphore, #tpu.memory_space<semaphore_mem>>, %arg16: memref<!tpu.dma_semaphore, #tpu.memory_space<semaphore_mem>>, %arg17: memref<!tpu.dma_semaphore, #tpu.memory_space<semaphore_mem>>) attributes {dimension_semantics = [#tpu.dimension_semantics<core_parallel>, #tpu.dimension_semantics<subcore_parallel>], iteration_bounds = array<i64: 2, 16>, scalar_prefetch = 0 : i64, scratch_operands = 12 : i64, tpu.core_type = #tpu.core_type<sc_vector_subcore>, window_params = [{transform_indices = #map}, {transform_indices = #map}, {transform_indices = #map1}, {transform_indices = #map2}]} {
    %mul3A = arith.constant 2 : i32
    %mul3A_0 = arith.muli %arg1, %mul3A : i32
    %add3A = arith.addi %mul3A_0, %arg0 : i32
    %mul3A_1 = arith.constant 128 : i32
    %mul3A_2 = arith.muli %add3A, %mul3A_1 : i32
    "tpu.region"() ({
      %run_scoped3A = tpu.sem_alloc : memref<!tpu.dma_semaphore, #tpu.memory_space<semaphore_mem>>
      tpu.enqueue_dma source(%arg4 : memref<12800xf32, #tpu.memory_space<hbm>>) target(%arg12 : memref<12800xf32, #tpu.memory_space<vmem>>) target_semaphore(%run_scoped3A : memref<!tpu.dma_semaphore, #tpu.memory_space<semaphore_mem>>)
      tpu.wait_dma2 semaphore(%run_scoped3A : memref<!tpu.dma_semaphore, #tpu.memory_space<semaphore_mem>>) src(%arg4 : memref<12800xf32, #tpu.memory_space<hbm>>) dst(%arg12 : memref<12800xf32, #tpu.memory_space<vmem>>)
      tpu.yield
    }) : () -> ()
    "tpu.region"() ({
      %run_scoped3A = tpu.sem_alloc : memref<!tpu.dma_semaphore, #tpu.memory_space<semaphore_mem>>
      %dma_start3A_33 = arith.constant 0 : i32
      %dma_start3A_34 = tpu.memref_slice %arg3[%dma_start3A_33, %mul3A_2] : memref<200x4096xi32, #tpu.memory_space<hbm>> -> memref<200x128xi32, #tpu.memory_space<hbm>>
      %dma_start3A_35 = arith.constant 0 : i32
      %dma_start3A_36 = tpu.memref_slice %arg3[%dma_start3A_35, %mul3A_2] : memref<200x4096xi32, #tpu.memory_space<hbm>> -> memref<200x128xi32, #tpu.memory_space<hbm>>
      tpu.enqueue_dma source(%dma_start3A_36 : memref<200x128xi32, #tpu.memory_space<hbm>>) target(%arg6 : memref<200x128xi32, #tpu.memory_space<vmem>>) target_semaphore(%run_scoped3A : memref<!tpu.dma_semaphore, #tpu.memory_space<semaphore_mem>>)
      %dma_wait3A_37 = arith.constant 0 : i32
      %dma_wait3A_38 = tpu.memref_slice %arg3[%dma_wait3A_37, %mul3A_2] : memref<200x4096xi32, #tpu.memory_space<hbm>> -> memref<200x128xi32, #tpu.memory_space<hbm>>
      %dma_wait3A_39 = arith.constant 0 : i32
      %dma_wait3A_40 = tpu.memref_slice %arg3[%dma_wait3A_39, %mul3A_2] : memref<200x4096xi32, #tpu.memory_space<hbm>> -> memref<200x128xi32, #tpu.memory_space<hbm>>
      tpu.wait_dma2 semaphore(%run_scoped3A : memref<!tpu.dma_semaphore, #tpu.memory_space<semaphore_mem>>) src(%dma_wait3A_40 : memref<200x128xi32, #tpu.memory_space<hbm>>) dst(%arg6 : memref<200x128xi32, #tpu.memory_space<vmem>>)
      tpu.yield
    }) : () -> ()
    %iota3A = tpu.iota {dimensions = array<i32: 0>} : vector<16xi32>
    %scan3A = arith.constant 0 : i32
    %scan3A_3 = arith.constant 0 : i32
    %scan3A_4 = arith.constant 200 : i32
    %scan3A_5 = arith.addi %scan3A_3, %scan3A_4 : i32
    %scan3A_6 = arith.constant 1 : i32
    scf.for %scan3A_33 = %scan3A_3 to %scan3A_5 step %scan3A_6  : i32 {
      %get3A = arith.index_cast %scan3A_33 : i32 to index
      %get3A_34 = arith.constant 0 : index
      %get3A_35 = tpu.vector_load %arg6[%get3A, %get3A_34] {strides = array<i32>} : memref<200x128xi32, #tpu.memory_space<vmem>>, vector<16xi32>,
      %shift_right_logical3A = arith.constant 1 : i32
      %shift_right_logical3A_36 = vector.broadcast %shift_right_logical3A : i32 to vector<16xi32>
      %shift_right_logical3A_37 = arith.shrui %get3A_35, %shift_right_logical3A_36 : vector<16xi32>
      %swap3A = arith.index_cast %scan3A_33 : i32 to index
      %swap3A_38 = arith.constant 0 : index
      %swap3A_39 = tpu.vector_load %arg6[%swap3A, %swap3A_38] {strides = array<i32>} : memref<200x128xi32, #tpu.memory_space<vmem>>, vector<16xi32>,
      tpu.vector_store %arg6[%swap3A, %swap3A_38], %shift_right_logical3A_37 {strides = array<i32>} : memref<200x128xi32, #tpu.memory_space<vmem>>, vector<16xi32>,
      %and3A = arith.constant 1 : i32
      %and3A_40 = vector.broadcast %and3A : i32 to vector<16xi32>
      %and3A_41 = arith.andi %get3A_35, %and3A_40 : vector<16xi32>
      %shift_left3A = arith.constant 6 : i32
      %shift_left3A_42 = vector.broadcast %shift_left3A : i32 to vector<16xi32>
      %shift_left3A_43 = arith.shli %and3A_41, %shift_left3A_42 : vector<16xi32>
      %swap3A_44 = arith.index_cast %scan3A_33 : i32 to index
      %swap3A_45 = arith.constant 0 : index
      %swap3A_46 = tpu.vector_load %arg7[%swap3A_44, %swap3A_45] {strides = array<i32>} : memref<200x128xi32, #tpu.memory_space<vmem>>, vector<16xi32>,
      tpu.vector_store %arg7[%swap3A_44, %swap3A_45], %shift_left3A_43 {strides = array<i32>} : memref<200x128xi32, #tpu.memory_space<vmem>>, vector<16xi32>,
      %get3A_47 = arith.index_cast %scan3A_33 : i32 to index
      %get3A_48 = arith.constant 16 : index
      %get3A_49 = tpu.vector_load %arg6[%get3A_47, %get3A_48] {strides = array<i32>} : memref<200x128xi32, #tpu.memory_space<vmem>>, vector<16xi32>,
      %shift_right_logical3A_50 = arith.constant 1 : i32
      %shift_right_logical3A_51 = vector.broadcast %shift_right_logical3A_50 : i32 to vector<16xi32>
      %shift_right_logical3A_52 = arith.shrui %get3A_49, %shift_right_logical3A_51 : vector<16xi32>
      %swap3A_53 = arith.index_cast %scan3A_33 : i32 to index
      %swap3A_54 = arith.constant 16 : index
      %swap3A_55 = tpu.vector_load %arg6[%swap3A_53, %swap3A_54] {strides = array<i32>} : memref<200x128xi32, #tpu.memory_space<vmem>>, vector<16xi32>,
      tpu.vector_store %arg6[%swap3A_53, %swap3A_54], %shift_right_logical3A_52 {strides = array<i32>} : memref<200x128xi32, #tpu.memory_space<vmem>>, vector<16xi32>,
      %and3A_56 = arith.constant 1 : i32
      %and3A_57 = vector.broadcast %and3A_56 : i32 to vector<16xi32>
      %and3A_58 = arith.andi %get3A_49, %and3A_57 : vector<16xi32>
      %shift_left3A_59 = arith.constant 6 : i32
      %shift_left3A_60 = vector.broadcast %shift_left3A_59 : i32 to vector<16xi32>
      %shift_left3A_61 = arith.shli %and3A_58, %shift_left3A_60 : vector<16xi32>
      %swap3A_62 = arith.index_cast %scan3A_33 : i32 to index
      %swap3A_63 = arith.constant 16 : index
      %swap3A_64 = tpu.vector_load %arg7[%swap3A_62, %swap3A_63] {strides = array<i32>} : memref<200x128xi32, #tpu.memory_space<vmem>>, vector<16xi32>,
      tpu.vector_store %arg7[%swap3A_62, %swap3A_63], %shift_left3A_61 {strides = array<i32>} : memref<200x128xi32, #tpu.memory_space<vmem>>, vector<16xi32>,
      %get3A_65 = arith.index_cast %scan3A_33 : i32 to index
      %get3A_66 = arith.constant 32 : index
      %get3A_67 = tpu.vector_load %arg6[%get3A_65, %get3A_66] {strides = array<i32>} : memref<200x128xi32, #tpu.memory_space<vmem>>, vector<16xi32>,
      %shift_right_logical3A_68 = arith.constant 1 : i32
      %shift_right_logical3A_69 = vector.broadcast %shift_right_logical3A_68 : i32 to vector<16xi32>
      %shift_right_logical3A_70 = arith.shrui %get3A_67, %shift_right_logical3A_69 : vector<16xi32>
      %swap3A_71 = arith.index_cast %scan3A_33 : i32 to index
      %swap3A_72 = arith.constant 32 : index
      %swap3A_73 = tpu.vector_load %arg6[%swap3A_71, %swap3A_72] {strides = array<i32>} : memref<200x128xi32, #tpu.memory_space<vmem>>, vector<16xi32>,
      tpu.vector_store %arg6[%swap3A_71, %swap3A_72], %shift_right_logical3A_70 {strides = array<i32>} : memref<200x128xi32, #tpu.memory_space<vmem>>, vector<16xi32>,
      %and3A_74 = arith.constant 1 : i32
      %and3A_75 = vector.broadcast %and3A_74 : i32 to vector<16xi32>
      %and3A_76 = arith.andi %get3A_67, %and3A_75 : vector<16xi32>
      %shift_left3A_77 = arith.constant 6 : i32
      %shift_left3A_78 = vector.broadcast %shift_left3A_77 : i32 to vector<16xi32>
      %shift_left3A_79 = arith.shli %and3A_76, %shift_left3A_78 : vector<16xi32>
      %swap3A_80 = arith.index_cast %scan3A_33 : i32 to index
      %swap3A_81 = arith.constant 32 : index
      %swap3A_82 = tpu.vector_load %arg7[%swap3A_80, %swap3A_81] {strides = array<i32>} : memref<200x128xi32, #tpu.memory_space<vmem>>, vector<16xi32>,
      tpu.vector_store %arg7[%swap3A_80, %swap3A_81], %shift_left3A_79 {strides = array<i32>} : memref<200x128xi32, #tpu.memory_space<vmem>>, vector<16xi32>,
      %get3A_83 = arith.index_cast %scan3A_33 : i32 to index
      %get3A_84 = arith.constant 48 : index
      %get3A_85 = tpu.vector_load %arg6[%get3A_83, %get3A_84] {strides = array<i32>} : memref<200x128xi32, #tpu.memory_space<vmem>>, vector<16xi32>,
      %shift_right_logical3A_86 = arith.constant 1 : i32
      %shift_right_logical3A_87 = vector.broadcast %shift_right_logical3A_86 : i32 to vector<16xi32>
      %shift_right_logical3A_88 = arith.shrui %get3A_85, %shift_right_logical3A_87 : vector<16xi32>
      %swap3A_89 = arith.index_cast %scan3A_33 : i32 to index
      %swap3A_90 = arith.constant 48 : index
      %swap3A_91 = tpu.vector_load %arg6[%swap3A_89, %swap3A_90] {strides = array<i32>} : memref<200x128xi32, #tpu.memory_space<vmem>>, vector<16xi32>,
      tpu.vector_store %arg6[%swap3A_89, %swap3A_90], %shift_right_logical3A_88 {strides = array<i32>} : memref<200x128xi32, #tpu.memory_space<vmem>>, vector<16xi32>,
      %and3A_92 = arith.constant 1 : i32
      %and3A_93 = vector.broadcast %and3A_92 : i32 to vector<16xi32>
      %and3A_94 = arith.andi %get3A_85, %and3A_93 : vector<16xi32>
      %shift_left3A_95 = arith.constant 6 : i32
      %shift_left3A_96 = vector.broadcast %shift_left3A_95 : i32 to vector<16xi32>
      %shift_left3A_97 = arith.shli %and3A_94, %shift_left3A_96 : vector<16xi32>
      %swap3A_98 = arith.index_cast %scan3A_33 : i32 to index
      %swap3A_99 = arith.constant 48 : index
      %swap3A_100 = tpu.vector_load %arg7[%swap3A_98, %swap3A_99] {strides = array<i32>} : memref<200x128xi32, #tpu.memory_space<vmem>>, vector<16xi32>,
      tpu.vector_store %arg7[%swap3A_98, %swap3A_99], %shift_left3A_97 {strides = array<i32>} : memref<200x128xi32, #tpu.memory_space<vmem>>, vector<16xi32>,
      %get3A_101 = arith.index_cast %scan3A_33 : i32 to index
      %get3A_102 = arith.constant 64 : index
      %get3A_103 = tpu.vector_load %arg6[%get3A_101, %get3A_102] {strides = array<i32>} : memref<200x128xi32, #tpu.memory_space<vmem>>, vector<16xi32>,
      %shift_right_logical3A_104 = arith.constant 1 : i32
      %shift_right_logical3A_105 = vector.broadcast %shift_right_logical3A_104 : i32 to vector<16xi32>
      %shift_right_logical3A_106 = arith.shrui %get3A_103, %shift_right_logical3A_105 : vector<16xi32>
      %swap3A_107 = arith.index_cast %scan3A_33 : i32 to index
      %swap3A_108 = arith.constant 64 : index
      %swap3A_109 = tpu.vector_load %arg6[%swap3A_107, %swap3A_108] {strides = array<i32>} : memref<200x128xi32, #tpu.memory_space<vmem>>, vector<16xi32>,
      tpu.vector_store %arg6[%swap3A_107, %swap3A_108], %shift_right_logical3A_106 {strides = array<i32>} : memref<200x128xi32, #tpu.memory_space<vmem>>, vector<16xi32>,
      %and3A_110 = arith.constant 1 : i32
      %and3A_111 = vector.broadcast %and3A_110 : i32 to vector<16xi32>
      %and3A_112 = arith.andi %get3A_103, %and3A_111 : vector<16xi32>
      %shift_left3A_113 = arith.constant 6 : i32
      %shift_left3A_114 = vector.broadcast %shift_left3A_113 : i32 to vector<16xi32>
      %shift_left3A_115 = arith.shli %and3A_112, %shift_left3A_114 : vector<16xi32>
      %swap3A_116 = arith.index_cast %scan3A_33 : i32 to index
      %swap3A_117 = arith.constant 64 : index
      %swap3A_118 = tpu.vector_load %arg7[%swap3A_116, %swap3A_117] {strides = array<i32>} : memref<200x128xi32, #tpu.memory_space<vmem>>, vector<16xi32>,
      tpu.vector_store %arg7[%swap3A_116, %swap3A_117], %shift_left3A_115 {strides = array<i32>} : memref<200x128xi32, #tpu.memory_space<vmem>>, vector<16xi32>,
      %get3A_119 = arith.index_cast %scan3A_33 : i32 to index
      %get3A_120 = arith.constant 80 : index
      %get3A_121 = tpu.vector_load %arg6[%get3A_119, %get3A_120] {strides = array<i32>} : memref<200x128xi32, #tpu.memory_space<vmem>>, vector<16xi32>,
      %shift_right_logical3A_122 = arith.constant 1 : i32
      %shift_right_logical3A_123 = vector.broadcast %shift_right_logical3A_122 : i32 to vector<16xi32>
      %shift_right_logical3A_124 = arith.shrui %get3A_121, %shift_right_logical3A_123 : vector<16xi32>
      %swap3A_125 = arith.index_cast %scan3A_33 : i32 to index
      %swap3A_126 = arith.constant 80 : index
      %swap3A_127 = tpu.vector_load %arg6[%swap3A_125, %swap3A_126] {strides = array<i32>} : memref<200x128xi32, #tpu.memory_space<vmem>>, vector<16xi32>,
      tpu.vector_store %arg6[%swap3A_125, %swap3A_126], %shift_right_logical3A_124 {strides = array<i32>} : memref<200x128xi32, #tpu.memory_space<vmem>>, vector<16xi32>,
      %and3A_128 = arith.constant 1 : i32
      %and3A_129 = vector.broadcast %and3A_128 : i32 to vector<16xi32>
      %and3A_130 = arith.andi %get3A_121, %and3A_129 : vector<16xi32>
      %shift_left3A_131 = arith.constant 6 : i32
      %shift_left3A_132 = vector.broadcast %shift_left3A_131 : i32 to vector<16xi32>
      %shift_left3A_133 = arith.shli %and3A_130, %shift_left3A_132 : vector<16xi32>
      %swap3A_134 = arith.index_cast %scan3A_33 : i32 to index
      %swap3A_135 = arith.constant 80 : index
      %swap3A_136 = tpu.vector_load %arg7[%swap3A_134, %swap3A_135] {strides = array<i32>} : memref<200x128xi32, #tpu.memory_space<vmem>>, vector<16xi32>,
      tpu.vector_store %arg7[%swap3A_134, %swap3A_135], %shift_left3A_133 {strides = array<i32>} : memref<200x128xi32, #tpu.memory_space<vmem>>, vector<16xi32>,
      %get3A_137 = arith.index_cast %scan3A_33 : i32 to index
      %get3A_138 = arith.constant 96 : index
      %get3A_139 = tpu.vector_load %arg6[%get3A_137, %get3A_138] {strides = array<i32>} : memref<200x128xi32, #tpu.memory_space<vmem>>, vector<16xi32>,
      %shift_right_logical3A_140 = arith.constant 1 : i32
      %shift_right_logical3A_141 = vector.broadcast %shift_right_logical3A_140 : i32 to vector<16xi32>
      %shift_right_logical3A_142 = arith.shrui %get3A_139, %shift_right_logical3A_141 : vector<16xi32>
      %swap3A_143 = arith.index_cast %scan3A_33 : i32 to index
      %swap3A_144 = arith.constant 96 : index
      %swap3A_145 = tpu.vector_load %arg6[%swap3A_143, %swap3A_144] {strides = array<i32>} : memref<200x128xi32, #tpu.memory_space<vmem>>, vector<16xi32>,
      tpu.vector_store %arg6[%swap3A_143, %swap3A_144], %shift_right_logical3A_142 {strides = array<i32>} : memref<200x128xi32, #tpu.memory_space<vmem>>, vector<16xi32>,
      %and3A_146 = arith.constant 1 : i32
      %and3A_147 = vector.broadcast %and3A_146 : i32 to vector<16xi32>
      %and3A_148 = arith.andi %get3A_139, %and3A_147 : vector<16xi32>
      %shift_left3A_149 = arith.constant 6 : i32
      %shift_left3A_150 = vector.broadcast %shift_left3A_149 : i32 to vector<16xi32>
      %shift_left3A_151 = arith.shli %and3A_148, %shift_left3A_150 : vector<16xi32>
      %swap3A_152 = arith.index_cast %scan3A_33 : i32 to index
      %swap3A_153 = arith.constant 96 : index
      %swap3A_154 = tpu.vector_load %arg7[%swap3A_152, %swap3A_153] {strides = array<i32>} : memref<200x128xi32, #tpu.memory_space<vmem>>, vector<16xi32>,
      tpu.vector_store %arg7[%swap3A_152, %swap3A_153], %shift_left3A_151 {strides = array<i32>} : memref<200x128xi32, #tpu.memory_space<vmem>>, vector<16xi32>,
      %get3A_155 = arith.index_cast %scan3A_33 : i32 to index
      %get3A_156 = arith.constant 112 : index
      %get3A_157 = tpu.vector_load %arg6[%get3A_155, %get3A_156] {strides = array<i32>} : memref<200x128xi32, #tpu.memory_space<vmem>>, vector<16xi32>,
      %shift_right_logical3A_158 = arith.constant 1 : i32
      %shift_right_logical3A_159 = vector.broadcast %shift_right_logical3A_158 : i32 to vector<16xi32>
      %shift_right_logical3A_160 = arith.shrui %get3A_157, %shift_right_logical3A_159 : vector<16xi32>
      %swap3A_161 = arith.index_cast %scan3A_33 : i32 to index
      %swap3A_162 = arith.constant 112 : index
      %swap3A_163 = tpu.vector_load %arg6[%swap3A_161, %swap3A_162] {strides = array<i32>} : memref<200x128xi32, #tpu.memory_space<vmem>>, vector<16xi32>,
      tpu.vector_store %arg6[%swap3A_161, %swap3A_162], %shift_right_logical3A_160 {strides = array<i32>} : memref<200x128xi32, #tpu.memory_space<vmem>>, vector<16xi32>,
      %and3A_164 = arith.constant 1 : i32
      %and3A_165 = vector.broadcast %and3A_164 : i32 to vector<16xi32>
      %and3A_166 = arith.andi %get3A_157, %and3A_165 : vector<16xi32>
      %shift_left3A_167 = arith.constant 6 : i32
      %shift_left3A_168 = vector.broadcast %shift_left3A_167 : i32 to vector<16xi32>
      %shift_left3A_169 = arith.shli %and3A_166, %shift_left3A_168 : vector<16xi32>
      %swap3A_170 = arith.index_cast %scan3A_33 : i32 to index
      %swap3A_171 = arith.constant 112 : index
      %swap3A_172 = tpu.vector_load %arg7[%swap3A_170, %swap3A_171] {strides = array<i32>} : memref<200x128xi32, #tpu.memory_space<vmem>>, vector<16xi32>,
      tpu.vector_store %arg7[%swap3A_170, %swap3A_171], %shift_left3A_169 {strides = array<i32>} : memref<200x128xi32, #tpu.memory_space<vmem>>, vector<16xi32>,
    }
    %scan3A_7 = arith.constant 200 : i32
    %dma_start3A = arith.constant 0 : i32
    %dma_start3A_8 = arith.constant 0 : i32
    %dma_start3A_9 = tpu.memref_slice %arg6[%dma_start3A, %dma_start3A_8] : memref<200x128xi32, #tpu.memory_space<vmem>> -> memref<1x128xi32, #tpu.memory_space<vmem>>
    %dma_start3A_10 = tpu.memref_squeeze %dma_start3A_9 : memref<1x128xi32, #tpu.memory_space<vmem>> -> memref<128xi32, #tpu.memory_space<vmem>>
    %dma_start3A_11 = arith.constant 0 : i32
    %dma_start3A_12 = arith.constant 0 : i32
    %dma_start3A_13 = tpu.memref_slice %arg2[%dma_start3A_11, %dma_start3A_12] : memref<500000x128xf32, #tpu.memory_space<hbm>> -> memref<500000x128xf32, #tpu.memory_space<hbm>>
    tpu.enqueue_indirect_dma source(%dma_start3A_13 : memref<500000x128xf32, #tpu.memory_space<hbm>>) target(%arg8 : memref<128x128xf32, #tpu.memory_space<vmem>>) offsets(%dma_start3A_10 : memref<128xi32, #tpu.memory_space<vmem>>) semaphore(%arg14 : memref<!tpu.dma_semaphore, #tpu.memory_space<semaphore_mem>>)
    %scan3A_14 = arith.constant 0 : i32
    %scan3A_15 = arith.constant 0 : i32
    %scan3A_16 = arith.constant 100 : i32
    %scan3A_17 = arith.addi %scan3A_15, %scan3A_16 : i32
    %scan3A_18 = arith.constant 1 : i32
    scf.for %scan3A_33 = %scan3A_15 to %scan3A_17 step %scan3A_18  : i32 {
      %mul3A_34 = arith.constant 2 : i32
      %mul3A_35 = arith.muli %mul3A_34, %scan3A_33 : i32
      %mul3A_36 = arith.constant 2 : i32
      %mul3A_37 = arith.muli %mul3A_36, %scan3A_33 : i32
      %add3A_38 = arith.constant 1 : i32
      %add3A_39 = arith.addi %mul3A_37, %add3A_38 : i32
      %dma_start3A_40 = arith.constant 0 : i32
      %dma_start3A_41 = tpu.memref_slice %arg6[%add3A_39, %dma_start3A_40] : memref<200x128xi32, #tpu.memory_space<vmem>> -> memref<1x128xi32, #tpu.memory_space<vmem>>
      %dma_start3A_42 = tpu.memref_squeeze %dma_start3A_41 : memref<1x128xi32, #tpu.memory_space<vmem>> -> memref<128xi32, #tpu.memory_space<vmem>>
      %dma_start3A_43 = arith.constant 0 : i32
      %dma_start3A_44 = arith.constant 0 : i32
      %dma_start3A_45 = tpu.memref_slice %arg2[%dma_start3A_43, %dma_start3A_44] : memref<500000x128xf32, #tpu.memory_space<hbm>> -> memref<500000x128xf32, #tpu.memory_space<hbm>>
      tpu.enqueue_indirect_dma source(%dma_start3A_45 : memref<500000x128xf32, #tpu.memory_space<hbm>>) target(%arg9 : memref<128x128xf32, #tpu.memory_space<vmem>>) offsets(%dma_start3A_42 : memref<128xi32, #tpu.memory_space<vmem>>) semaphore(%arg15 : memref<!tpu.dma_semaphore, #tpu.memory_space<semaphore_mem>>)
      %dma_wait3A_46 = arith.constant 0 : i32
      %dma_wait3A_47 = tpu.memref_slice %arg6[%mul3A_35, %dma_wait3A_46] : memref<200x128xi32, #tpu.memory_space<vmem>> -> memref<1x128xi32, #tpu.memory_space<vmem>>
      %dma_wait3A_48 = tpu.memref_squeeze %dma_wait3A_47 : memref<1x128xi32, #tpu.memory_space<vmem>> -> memref<128xi32, #tpu.memory_space<vmem>>
      %dma_wait3A_49 = arith.constant 0 : i32
      %dma_wait3A_50 = arith.constant 0 : i32
      %dma_wait3A_51 = tpu.memref_slice %arg2[%dma_wait3A_49, %dma_wait3A_50] : memref<500000x128xf32, #tpu.memory_space<hbm>> -> memref<500000x128xf32, #tpu.memory_space<hbm>>
      tpu.wait_indirect_dma semaphore(%arg14 : memref<!tpu.dma_semaphore, #tpu.memory_space<semaphore_mem>>) src(%dma_wait3A_51 : memref<500000x128xf32, #tpu.memory_space<hbm>>) dst(%arg8 : memref<128x128xf32, #tpu.memory_space<vmem>>)
      %gt3A = arith.constant 0 : i32
      %gt3A_52 = arith.cmpi sgt, %scan3A_33, %gt3A : i32
      %convert_element_type3A = arith.extui %gt3A_52 : i1 to i32
      %cond3A = arith.constant 0 : i32
      %cond3A_53 = arith.cmpi ne, %convert_element_type3A, %cond3A : i32
      scf.if %cond3A_53 {
        %sub3A = arith.constant 2 : i32
        %sub3A_205 = arith.subi %mul3A_35, %sub3A : i32
        %dma_wait3A_206 = arith.constant 0 : i32
        %dma_wait3A_207 = tpu.memref_slice %arg5[%sub3A_205, %dma_wait3A_206, %mul3A_2] : memref<200x64x4096xf32, #tpu.memory_space<hbm>> -> memref<1x64x128xf32, #tpu.memory_space<hbm>>
        %dma_wait3A_208 = tpu.memref_squeeze %dma_wait3A_207 : memref<1x64x128xf32, #tpu.memory_space<hbm>> -> memref<64x128xf32, #tpu.memory_space<hbm>>
        %dma_wait3A_209 = arith.constant 0 : i32
        %dma_wait3A_210 = tpu.memref_slice %arg5[%sub3A_205, %dma_wait3A_209, %mul3A_2] : memref<200x64x4096xf32, #tpu.memory_space<hbm>> -> memref<1x64x128xf32, #tpu.memory_space<hbm>>
        %dma_wait3A_211 = tpu.memref_squeeze %dma_wait3A_210 : memref<1x64x128xf32, #tpu.memory_space<hbm>> -> memref<64x128xf32, #tpu.memory_space<hbm>>
        tpu.wait_dma2 semaphore(%arg16 : memref<!tpu.dma_semaphore, #tpu.memory_space<semaphore_mem>>) src(%arg10 : memref<64x128xf32, #tpu.memory_space<vmem>>) dst(%dma_wait3A_211 : memref<64x128xf32, #tpu.memory_space<hbm>>)
      } else {
      }
      %mul3A_54 = arith.constant 64 : i32
      %mul3A_55 = arith.muli %mul3A_35, %mul3A_54 : i32
      %broadcast_in_dim3A = vector.broadcast %mul3A_55 : i32 to vector<16xi32>
      %scan3A_56 = arith.constant 0 : i32
      %scan3A_57 = arith.constant 0 : i32
      %scan3A_58 = arith.constant 16 : i32
      %scan3A_59 = arith.addi %scan3A_57, %scan3A_58 : i32
      %scan3A_60 = arith.constant 1 : i32
      scf.for %scan3A_205 = %scan3A_57 to %scan3A_59 step %scan3A_60  : i32 {
        %mul3A_206 = arith.constant 4 : i32
        %mul3A_207 = arith.muli %mul3A_206, %scan3A_205 : i32
        %add3A_208 = arith.constant 0 : i32
        %add3A_209 = arith.addi %mul3A_207, %add3A_208 : i32
        %add3A_210 = vector.broadcast %add3A_209 : i32 to vector<16xi32>
        %add3A_211 = arith.addi %broadcast_in_dim3A, %add3A_210 : vector<16xi32>
        %gather3A = tpu.vector_load_idx %arg12[%add3A_211] : memref<12800xf32, #tpu.memory_space<vmem>>[vector<16xi32>], vector<16xf32>,
        %mul3A_212 = arith.constant 4 : i32
        %mul3A_213 = arith.muli %mul3A_212, %scan3A_205 : i32
        %add3A_214 = arith.constant 1 : i32
        %add3A_215 = arith.addi %mul3A_213, %add3A_214 : i32
        %add3A_216 = vector.broadcast %add3A_215 : i32 to vector<16xi32>
        %add3A_217 = arith.addi %broadcast_in_dim3A, %add3A_216 : vector<16xi32>
        %gather3A_218 = tpu.vector_load_idx %arg12[%add3A_217] : memref<12800xf32, #tpu.memory_space<vmem>>[vector<16xi32>], vector<16xf32>,
        %mul3A_219 = arith.constant 4 : i32
        %mul3A_220 = arith.muli %mul3A_219, %scan3A_205 : i32
        %add3A_221 = arith.constant 2 : i32
        %add3A_222 = arith.addi %mul3A_220, %add3A_221 : i32
        %add3A_223 = vector.broadcast %add3A_222 : i32 to vector<16xi32>
        %add3A_224 = arith.addi %broadcast_in_dim3A, %add3A_223 : vector<16xi32>
        %gather3A_225 = tpu.vector_load_idx %arg12[%add3A_224] : memref<12800xf32, #tpu.memory_space<vmem>>[vector<16xi32>], vector<16xf32>,
        %mul3A_226 = arith.constant 4 : i32
        %mul3A_227 = arith.muli %mul3A_226, %scan3A_205 : i32
        %add3A_228 = arith.constant 3 : i32
        %add3A_229 = arith.addi %mul3A_227, %add3A_228 : i32
        %add3A_230 = vector.broadcast %add3A_229 : i32 to vector<16xi32>
        %add3A_231 = arith.addi %broadcast_in_dim3A, %add3A_230 : vector<16xi32>
        %gather3A_232 = tpu.vector_load_idx %arg12[%add3A_231] : memref<12800xf32, #tpu.memory_space<vmem>>[vector<16xi32>], vector<16xf32>,
        %mul3A_233 = arith.constant 4 : i32
        %mul3A_234 = arith.muli %mul3A_233, %scan3A_205 : i32
        %add3A_235 = arith.constant 0 : i32
        %add3A_236 = arith.addi %mul3A_234, %add3A_235 : i32
        %swap3A = arith.index_cast %add3A_236 : i32 to index
        %swap3A_237 = arith.constant 0 : index
        %swap3A_238 = tpu.vector_load %arg13[%swap3A, %swap3A_237] {strides = array<i32>} : memref<64x16xf32, #tpu.memory_space<vmem>>, vector<16xf32>,
        tpu.vector_store %arg13[%swap3A, %swap3A_237], %gather3A {strides = array<i32>} : memref<64x16xf32, #tpu.memory_space<vmem>>, vector<16xf32>,
        %mul3A_239 = arith.constant 4 : i32
        %mul3A_240 = arith.muli %mul3A_239, %scan3A_205 : i32
        %add3A_241 = arith.constant 1 : i32
        %add3A_242 = arith.addi %mul3A_240, %add3A_241 : i32
        %swap3A_243 = arith.index_cast %add3A_242 : i32 to index
        %swap3A_244 = arith.constant 0 : index
        %swap3A_245 = tpu.vector_load %arg13[%swap3A_243, %swap3A_244] {strides = array<i32>} : memref<64x16xf32, #tpu.memory_space<vmem>>, vector<16xf32>,
        tpu.vector_store %arg13[%swap3A_243, %swap3A_244], %gather3A_218 {strides = array<i32>} : memref<64x16xf32, #tpu.memory_space<vmem>>, vector<16xf32>,
        %mul3A_246 = arith.constant 4 : i32
        %mul3A_247 = arith.muli %mul3A_246, %scan3A_205 : i32
        %add3A_248 = arith.constant 2 : i32
        %add3A_249 = arith.addi %mul3A_247, %add3A_248 : i32
        %swap3A_250 = arith.index_cast %add3A_249 : i32 to index
        %swap3A_251 = arith.constant 0 : index
        %swap3A_252 = tpu.vector_load %arg13[%swap3A_250, %swap3A_251] {strides = array<i32>} : memref<64x16xf32, #tpu.memory_space<vmem>>, vector<16xf32>,
        tpu.vector_store %arg13[%swap3A_250, %swap3A_251], %gather3A_225 {strides = array<i32>} : memref<64x16xf32, #tpu.memory_space<vmem>>, vector<16xf32>,
        %mul3A_253 = arith.constant 4 : i32
        %mul3A_254 = arith.muli %mul3A_253, %scan3A_205 : i32
        %add3A_255 = arith.constant 3 : i32
        %add3A_256 = arith.addi %mul3A_254, %add3A_255 : i32
        %swap3A_257 = arith.index_cast %add3A_256 : i32 to index
        %swap3A_258 = arith.constant 0 : index
        %swap3A_259 = tpu.vector_load %arg13[%swap3A_257, %swap3A_258] {strides = array<i32>} : memref<64x16xf32, #tpu.memory_space<vmem>>, vector<16xf32>,
        tpu.vector_store %arg13[%swap3A_257, %swap3A_258], %gather3A_232 {strides = array<i32>} : memref<64x16xf32, #tpu.memory_space<vmem>>, vector<16xf32>,
      }
      %scan3A_61 = arith.constant 16 : i32
      %get3A = arith.index_cast %mul3A_35 : i32 to index
      %get3A_62 = arith.constant 0 : index
      %get3A_63 = tpu.vector_load %arg7[%get3A, %get3A_62] {strides = array<i32>} : memref<200x128xi32, #tpu.memory_space<vmem>>, vector<16xi32>,
      %get3A_64 = arith.index_cast %mul3A_35 : i32 to index
      %get3A_65 = arith.constant 16 : index
      %get3A_66 = tpu.vector_load %arg7[%get3A_64, %get3A_65] {strides = array<i32>} : memref<200x128xi32, #tpu.memory_space<vmem>>, vector<16xi32>,
      %get3A_67 = arith.index_cast %mul3A_35 : i32 to index
      %get3A_68 = arith.constant 32 : index
      %get3A_69 = tpu.vector_load %arg7[%get3A_67, %get3A_68] {strides = array<i32>} : memref<200x128xi32, #tpu.memory_space<vmem>>, vector<16xi32>,
      %get3A_70 = arith.index_cast %mul3A_35 : i32 to index
      %get3A_71 = arith.constant 48 : index
      %get3A_72 = tpu.vector_load %arg7[%get3A_70, %get3A_71] {strides = array<i32>} : memref<200x128xi32, #tpu.memory_space<vmem>>, vector<16xi32>,
      %get3A_73 = arith.index_cast %mul3A_35 : i32 to index
      %get3A_74 = arith.constant 64 : index
      %get3A_75 = tpu.vector_load %arg7[%get3A_73, %get3A_74] {strides = array<i32>} : memref<200x128xi32, #tpu.memory_space<vmem>>, vector<16xi32>,
      %get3A_76 = arith.index_cast %mul3A_35 : i32 to index
      %get3A_77 = arith.constant 80 : index
      %get3A_78 = tpu.vector_load %arg7[%get3A_76, %get3A_77] {strides = array<i32>} : memref<200x128xi32, #tpu.memory_space<vmem>>, vector<16xi32>,
      %get3A_79 = arith.index_cast %mul3A_35 : i32 to index
      %get3A_80 = arith.constant 96 : index
      %get3A_81 = tpu.vector_load %arg7[%get3A_79, %get3A_80] {strides = array<i32>} : memref<200x128xi32, #tpu.memory_space<vmem>>, vector<16xi32>,
      %get3A_82 = arith.index_cast %mul3A_35 : i32 to index
      %get3A_83 = arith.constant 112 : index
      %get3A_84 = tpu.vector_load %arg7[%get3A_82, %get3A_83] {strides = array<i32>} : memref<200x128xi32, #tpu.memory_space<vmem>>, vector<16xi32>,
      %add3A_85 = arith.constant 0 : i32
      %add3A_86 = vector.broadcast %add3A_85 : i32 to vector<16xi32>
      %add3A_87 = arith.addi %iota3A, %add3A_86 : vector<16xi32>
      %add3A_88 = arith.constant 16 : i32
      %add3A_89 = vector.broadcast %add3A_88 : i32 to vector<16xi32>
      %add3A_90 = arith.addi %iota3A, %add3A_89 : vector<16xi32>
      %add3A_91 = arith.constant 32 : i32
      %add3A_92 = vector.broadcast %add3A_91 : i32 to vector<16xi32>
      %add3A_93 = arith.addi %iota3A, %add3A_92 : vector<16xi32>
      %add3A_94 = arith.constant 48 : i32
      %add3A_95 = vector.broadcast %add3A_94 : i32 to vector<16xi32>
      %add3A_96 = arith.addi %iota3A, %add3A_95 : vector<16xi32>
      %add3A_97 = arith.constant 64 : i32
      %add3A_98 = vector.broadcast %add3A_97 : i32 to vector<16xi32>
      %add3A_99 = arith.addi %iota3A, %add3A_98 : vector<16xi32>
      %add3A_100 = arith.constant 80 : i32
      %add3A_101 = vector.broadcast %add3A_100 : i32 to vector<16xi32>
      %add3A_102 = arith.addi %iota3A, %add3A_101 : vector<16xi32>
      %add3A_103 = arith.constant 96 : i32
      %add3A_104 = vector.broadcast %add3A_103 : i32 to vector<16xi32>
      %add3A_105 = arith.addi %iota3A, %add3A_104 : vector<16xi32>
      %add3A_106 = arith.constant 112 : i32
      %add3A_107 = vector.broadcast %add3A_106 : i32 to vector<16xi32>
      %add3A_108 = arith.addi %iota3A, %add3A_107 : vector<16xi32>
      %scan3A_109 = arith.constant 0 : i32
      %scan3A_110 = arith.constant 0 : i32
      %scan3A_111 = arith.constant 32 : i32
      %scan3A_112 = arith.addi %scan3A_110, %scan3A_111 : i32
      %scan3A_113 = arith.constant 1 : i32
      scf.for %scan3A_205 = %scan3A_110 to %scan3A_112 step %scan3A_113  : i32 {
        %mul3A_206 = arith.constant 2 : i32
        %mul3A_207 = arith.muli %mul3A_206, %scan3A_205 : i32
        %add3A_208 = arith.constant 0 : i32
        %add3A_209 = arith.addi %mul3A_207, %add3A_208 : i32
        %add3A_210 = vector.broadcast %add3A_209 : i32 to vector<16xi32>
        %add3A_211 = arith.addi %get3A_63, %add3A_210 : vector<16xi32>
        %gather3A = tpu.vector_load_idx %arg8[%add3A_87, %add3A_211] : memref<128x128xf32, #tpu.memory_space<vmem>>[vector<16xi32>, vector<16xi32>], vector<16xf32>,
        %add3A_212 = arith.constant 0 : i32
        %add3A_213 = arith.addi %mul3A_207, %add3A_212 : i32
        %add3A_214 = vector.broadcast %add3A_213 : i32 to vector<16xi32>
        %add3A_215 = arith.addi %get3A_66, %add3A_214 : vector<16xi32>
        %gather3A_216 = tpu.vector_load_idx %arg8[%add3A_90, %add3A_215] : memref<128x128xf32, #tpu.memory_space<vmem>>[vector<16xi32>, vector<16xi32>], vector<16xf32>,
        %add3A_217 = arith.constant 0 : i32
        %add3A_218 = arith.addi %mul3A_207, %add3A_217 : i32
        %add3A_219 = vector.broadcast %add3A_218 : i32 to vector<16xi32>
        %add3A_220 = arith.addi %get3A_69, %add3A_219 : vector<16xi32>
        %gather3A_221 = tpu.vector_load_idx %arg8[%add3A_93, %add3A_220] : memref<128x128xf32, #tpu.memory_space<vmem>>[vector<16xi32>, vector<16xi32>], vector<16xf32>,
        %add3A_222 = arith.constant 0 : i32
        %add3A_223 = arith.addi %mul3A_207, %add3A_222 : i32
        %add3A_224 = vector.broadcast %add3A_223 : i32 to vector<16xi32>
        %add3A_225 = arith.addi %get3A_72, %add3A_224 : vector<16xi32>
        %gather3A_226 = tpu.vector_load_idx %arg8[%add3A_96, %add3A_225] : memref<128x128xf32, #tpu.memory_space<vmem>>[vector<16xi32>, vector<16xi32>], vector<16xf32>,
        %add3A_227 = arith.constant 0 : i32
        %add3A_228 = arith.addi %mul3A_207, %add3A_227 : i32
        %add3A_229 = vector.broadcast %add3A_228 : i32 to vector<16xi32>
        %add3A_230 = arith.addi %get3A_75, %add3A_229 : vector<16xi32>
        %gather3A_231 = tpu.vector_load_idx %arg8[%add3A_99, %add3A_230] : memref<128x128xf32, #tpu.memory_space<vmem>>[vector<16xi32>, vector<16xi32>], vector<16xf32>,
        %add3A_232 = arith.constant 0 : i32
        %add3A_233 = arith.addi %mul3A_207, %add3A_232 : i32
        %add3A_234 = vector.broadcast %add3A_233 : i32 to vector<16xi32>
        %add3A_235 = arith.addi %get3A_78, %add3A_234 : vector<16xi32>
        %gather3A_236 = tpu.vector_load_idx %arg8[%add3A_102, %add3A_235] : memref<128x128xf32, #tpu.memory_space<vmem>>[vector<16xi32>, vector<16xi32>], vector<16xf32>,
        %add3A_237 = arith.constant 0 : i32
        %add3A_238 = arith.addi %mul3A_207, %add3A_237 : i32
        %add3A_239 = vector.broadcast %add3A_238 : i32 to vector<16xi32>
        %add3A_240 = arith.addi %get3A_81, %add3A_239 : vector<16xi32>
        %gather3A_241 = tpu.vector_load_idx %arg8[%add3A_105, %add3A_240] : memref<128x128xf32, #tpu.memory_space<vmem>>[vector<16xi32>, vector<16xi32>], vector<16xf32>,
        %add3A_242 = arith.constant 0 : i32
        %add3A_243 = arith.addi %mul3A_207, %add3A_242 : i32
        %add3A_244 = vector.broadcast %add3A_243 : i32 to vector<16xi32>
        %add3A_245 = arith.addi %get3A_84, %add3A_244 : vector<16xi32>
        %gather3A_246 = tpu.vector_load_idx %arg8[%add3A_108, %add3A_245] : memref<128x128xf32, #tpu.memory_space<vmem>>[vector<16xi32>, vector<16xi32>], vector<16xf32>,
        %add3A_247 = arith.constant 1 : i32
        %add3A_248 = arith.addi %mul3A_207, %add3A_247 : i32
        %add3A_249 = vector.broadcast %add3A_248 : i32 to vector<16xi32>
        %add3A_250 = arith.addi %get3A_63, %add3A_249 : vector<16xi32>
        %gather3A_251 = tpu.vector_load_idx %arg8[%add3A_87, %add3A_250] : memref<128x128xf32, #tpu.memory_space<vmem>>[vector<16xi32>, vector<16xi32>], vector<16xf32>,
        %add3A_252 = arith.constant 1 : i32
        %add3A_253 = arith.addi %mul3A_207, %add3A_252 : i32
        %add3A_254 = vector.broadcast %add3A_253 : i32 to vector<16xi32>
        %add3A_255 = arith.addi %get3A_66, %add3A_254 : vector<16xi32>
        %gather3A_256 = tpu.vector_load_idx %arg8[%add3A_90, %add3A_255] : memref<128x128xf32, #tpu.memory_space<vmem>>[vector<16xi32>, vector<16xi32>], vector<16xf32>,
        %add3A_257 = arith.constant 1 : i32
        %add3A_258 = arith.addi %mul3A_207, %add3A_257 : i32
        %add3A_259 = vector.broadcast %add3A_258 : i32 to vector<16xi32>
        %add3A_260 = arith.addi %get3A_69, %add3A_259 : vector<16xi32>
        %gather3A_261 = tpu.vector_load_idx %arg8[%add3A_93, %add3A_260] : memref<128x128xf32, #tpu.memory_space<vmem>>[vector<16xi32>, vector<16xi32>], vector<16xf32>,
        %add3A_262 = arith.constant 1 : i32
        %add3A_263 = arith.addi %mul3A_207, %add3A_262 : i32
        %add3A_264 = vector.broadcast %add3A_263 : i32 to vector<16xi32>
        %add3A_265 = arith.addi %get3A_72, %add3A_264 : vector<16xi32>
        %gather3A_266 = tpu.vector_load_idx %arg8[%add3A_96, %add3A_265] : memref<128x128xf32, #tpu.memory_space<vmem>>[vector<16xi32>, vector<16xi32>], vector<16xf32>,
        %add3A_267 = arith.constant 1 : i32
        %add3A_268 = arith.addi %mul3A_207, %add3A_267 : i32
        %add3A_269 = vector.broadcast %add3A_268 : i32 to vector<16xi32>
        %add3A_270 = arith.addi %get3A_75, %add3A_269 : vector<16xi32>
        %gather3A_271 = tpu.vector_load_idx %arg8[%add3A_99, %add3A_270] : memref<128x128xf32, #tpu.memory_space<vmem>>[vector<16xi32>, vector<16xi32>], vector<16xf32>,
        %add3A_272 = arith.constant 1 : i32
        %add3A_273 = arith.addi %mul3A_207, %add3A_272 : i32
        %add3A_274 = vector.broadcast %add3A_273 : i32 to vector<16xi32>
        %add3A_275 = arith.addi %get3A_78, %add3A_274 : vector<16xi32>
        %gather3A_276 = tpu.vector_load_idx %arg8[%add3A_102, %add3A_275] : memref<128x128xf32, #tpu.memory_space<vmem>>[vector<16xi32>, vector<16xi32>], vector<16xf32>,
        %add3A_277 = arith.constant 1 : i32
        %add3A_278 = arith.addi %mul3A_207, %add3A_277 : i32
        %add3A_279 = vector.broadcast %add3A_278 : i32 to vector<16xi32>
        %add3A_280 = arith.addi %get3A_81, %add3A_279 : vector<16xi32>
        %gather3A_281 = tpu.vector_load_idx %arg8[%add3A_105, %add3A_280] : memref<128x128xf32, #tpu.memory_space<vmem>>[vector<16xi32>, vector<16xi32>], vector<16xf32>,
        %add3A_282 = arith.constant 1 : i32
        %add3A_283 = arith.addi %mul3A_207, %add3A_282 : i32
        %add3A_284 = vector.broadcast %add3A_283 : i32 to vector<16xi32>
        %add3A_285 = arith.addi %get3A_84, %add3A_284 : vector<16xi32>
        %gather3A_286 = tpu.vector_load_idx %arg8[%add3A_108, %add3A_285] : memref<128x128xf32, #tpu.memory_space<vmem>>[vector<16xi32>, vector<16xi32>], vector<16xf32>,
        %get3A_287 = arith.index_cast %mul3A_207 : i32 to index
        %get3A_288 = arith.constant 0 : index
        %get3A_289 = tpu.vector_load %arg13[%get3A_287, %get3A_288] {strides = array<i32>} : memref<64x16xf32, #tpu.memory_space<vmem>>, vector<16xf32>,
        %add3A_290 = arith.constant 1 : i32
        %add3A_291 = arith.addi %mul3A_207, %add3A_290 : i32
        %get3A_292 = arith.index_cast %add3A_291 : i32 to index
        %get3A_293 = arith.constant 0 : index
        %get3A_294 = tpu.vector_load %arg13[%get3A_292, %get3A_293] {strides = array<i32>} : memref<64x16xf32, #tpu.memory_space<vmem>>, vector<16xf32>,
        %mul3A_295 = arith.constant 8.000000e+00 : f32
        %mul3A_296 = vector.broadcast %mul3A_295 : f32 to vector<16xf32>
        %mul3A_297 = arith.mulf %gather3A, %mul3A_296 : vector<16xf32>
        %add3A_298 = arith.addf %mul3A_297, %get3A_289 : vector<16xf32>
        %swap3A = arith.index_cast %mul3A_207 : i32 to index
        %swap3A_299 = arith.constant 0 : index
        %swap3A_300 = tpu.vector_load %arg10[%swap3A, %swap3A_299] {strides = array<i32>} : memref<64x128xf32, #tpu.memory_space<vmem>>, vector<16xf32>,
        tpu.vector_store %arg10[%swap3A, %swap3A_299], %add3A_298 {strides = array<i32>} : memref<64x128xf32, #tpu.memory_space<vmem>>, vector<16xf32>,
        %mul3A_301 = arith.constant 8.000000e+00 : f32
        %mul3A_302 = vector.broadcast %mul3A_301 : f32 to vector<16xf32>
        %mul3A_303 = arith.mulf %gather3A_216, %mul3A_302 : vector<16xf32>
        %add3A_304 = arith.addf %mul3A_303, %get3A_289 : vector<16xf32>
        %swap3A_305 = arith.index_cast %mul3A_207 : i32 to index
        %swap3A_306 = arith.constant 16 : index
        %swap3A_307 = tpu.vector_load %arg10[%swap3A_305, %swap3A_306] {strides = array<i32>} : memref<64x128xf32, #tpu.memory_space<vmem>>, vector<16xf32>,
        tpu.vector_store %arg10[%swap3A_305, %swap3A_306], %add3A_304 {strides = array<i32>} : memref<64x128xf32, #tpu.memory_space<vmem>>, vector<16xf32>,
        %mul3A_308 = arith.constant 8.000000e+00 : f32
        %mul3A_309 = vector.broadcast %mul3A_308 : f32 to vector<16xf32>
        %mul3A_310 = arith.mulf %gather3A_221, %mul3A_309 : vector<16xf32>
        %add3A_311 = arith.addf %mul3A_310, %get3A_289 : vector<16xf32>
        %swap3A_312 = arith.index_cast %mul3A_207 : i32 to index
        %swap3A_313 = arith.constant 32 : index
        %swap3A_314 = tpu.vector_load %arg10[%swap3A_312, %swap3A_313] {strides = array<i32>} : memref<64x128xf32, #tpu.memory_space<vmem>>, vector<16xf32>,
        tpu.vector_store %arg10[%swap3A_312, %swap3A_313], %add3A_311 {strides = array<i32>} : memref<64x128xf32, #tpu.memory_space<vmem>>, vector<16xf32>,
        %mul3A_315 = arith.constant 8.000000e+00 : f32
        %mul3A_316 = vector.broadcast %mul3A_315 : f32 to vector<16xf32>
        %mul3A_317 = arith.mulf %gather3A_226, %mul3A_316 : vector<16xf32>
        %add3A_318 = arith.addf %mul3A_317, %get3A_289 : vector<16xf32>
        %swap3A_319 = arith.index_cast %mul3A_207 : i32 to index
        %swap3A_320 = arith.constant 48 : index
        %swap3A_321 = tpu.vector_load %arg10[%swap3A_319, %swap3A_320] {strides = array<i32>} : memref<64x128xf32, #tpu.memory_space<vmem>>, vector<16xf32>,
        tpu.vector_store %arg10[%swap3A_319, %swap3A_320], %add3A_318 {strides = array<i32>} : memref<64x128xf32, #tpu.memory_space<vmem>>, vector<16xf32>,
        %mul3A_322 = arith.constant 8.000000e+00 : f32
        %mul3A_323 = vector.broadcast %mul3A_322 : f32 to vector<16xf32>
        %mul3A_324 = arith.mulf %gather3A_231, %mul3A_323 : vector<16xf32>
        %add3A_325 = arith.addf %mul3A_324, %get3A_289 : vector<16xf32>
        %swap3A_326 = arith.index_cast %mul3A_207 : i32 to index
        %swap3A_327 = arith.constant 64 : index
        %swap3A_328 = tpu.vector_load %arg10[%swap3A_326, %swap3A_327] {strides = array<i32>} : memref<64x128xf32, #tpu.memory_space<vmem>>, vector<16xf32>,
        tpu.vector_store %arg10[%swap3A_326, %swap3A_327], %add3A_325 {strides = array<i32>} : memref<64x128xf32, #tpu.memory_space<vmem>>, vector<16xf32>,
        %mul3A_329 = arith.constant 8.000000e+00 : f32
        %mul3A_330 = vector.broadcast %mul3A_329 : f32 to vector<16xf32>
        %mul3A_331 = arith.mulf %gather3A_236, %mul3A_330 : vector<16xf32>
        %add3A_332 = arith.addf %mul3A_331, %get3A_289 : vector<16xf32>
        %swap3A_333 = arith.index_cast %mul3A_207 : i32 to index
        %swap3A_334 = arith.constant 80 : index
        %swap3A_335 = tpu.vector_load %arg10[%swap3A_333, %swap3A_334] {strides = array<i32>} : memref<64x128xf32, #tpu.memory_space<vmem>>, vector<16xf32>,
        tpu.vector_store %arg10[%swap3A_333, %swap3A_334], %add3A_332 {strides = array<i32>} : memref<64x128xf32, #tpu.memory_space<vmem>>, vector<16xf32>,
        %mul3A_336 = arith.constant 8.000000e+00 : f32
        %mul3A_337 = vector.broadcast %mul3A_336 : f32 to vector<16xf32>
        %mul3A_338 = arith.mulf %gather3A_241, %mul3A_337 : vector<16xf32>
        %add3A_339 = arith.addf %mul3A_338, %get3A_289 : vector<16xf32>
        %swap3A_340 = arith.index_cast %mul3A_207 : i32 to index
        %swap3A_341 = arith.constant 96 : index
        %swap3A_342 = tpu.vector_load %arg10[%swap3A_340, %swap3A_341] {strides = array<i32>} : memref<64x128xf32, #tpu.memory_space<vmem>>, vector<16xf32>,
        tpu.vector_store %arg10[%swap3A_340, %swap3A_341], %add3A_339 {strides = array<i32>} : memref<64x128xf32, #tpu.memory_space<vmem>>, vector<16xf32>,
        %mul3A_343 = arith.constant 8.000000e+00 : f32
        %mul3A_344 = vector.broadcast %mul3A_343 : f32 to vector<16xf32>
        %mul3A_345 = arith.mulf %gather3A_246, %mul3A_344 : vector<16xf32>
        %add3A_346 = arith.addf %mul3A_345, %get3A_289 : vector<16xf32>
        %swap3A_347 = arith.index_cast %mul3A_207 : i32 to index
        %swap3A_348 = arith.constant 112 : index
        %swap3A_349 = tpu.vector_load %arg10[%swap3A_347, %swap3A_348] {strides = array<i32>} : memref<64x128xf32, #tpu.memory_space<vmem>>, vector<16xf32>,
        tpu.vector_store %arg10[%swap3A_347, %swap3A_348], %add3A_346 {strides = array<i32>} : memref<64x128xf32, #tpu.memory_space<vmem>>, vector<16xf32>,
        %mul3A_350 = arith.constant 8.000000e+00 : f32
        %mul3A_351 = vector.broadcast %mul3A_350 : f32 to vector<16xf32>
        %mul3A_352 = arith.mulf %gather3A_251, %mul3A_351 : vector<16xf32>
        %add3A_353 = arith.addf %mul3A_352, %get3A_294 : vector<16xf32>
        %add3A_354 = arith.constant 1 : i32
        %add3A_355 = arith.addi %mul3A_207, %add3A_354 : i32
        %swap3A_356 = arith.index_cast %add3A_355 : i32 to index
        %swap3A_357 = arith.constant 0 : index
        %swap3A_358 = tpu.vector_load %arg10[%swap3A_356, %swap3A_357] {strides = array<i32>} : memref<64x128xf32, #tpu.memory_space<vmem>>, vector<16xf32>,
        tpu.vector_store %arg10[%swap3A_356, %swap3A_357], %add3A_353 {strides = array<i32>} : memref<64x128xf32, #tpu.memory_space<vmem>>, vector<16xf32>,
        %mul3A_359 = arith.constant 8.000000e+00 : f32
        %mul3A_360 = vector.broadcast %mul3A_359 : f32 to vector<16xf32>
        %mul3A_361 = arith.mulf %gather3A_256, %mul3A_360 : vector<16xf32>
        %add3A_362 = arith.addf %mul3A_361, %get3A_294 : vector<16xf32>
        %add3A_363 = arith.constant 1 : i32
        %add3A_364 = arith.addi %mul3A_207, %add3A_363 : i32
        %swap3A_365 = arith.index_cast %add3A_364 : i32 to index
        %swap3A_366 = arith.constant 16 : index
        %swap3A_367 = tpu.vector_load %arg10[%swap3A_365, %swap3A_366] {strides = array<i32>} : memref<64x128xf32, #tpu.memory_space<vmem>>, vector<16xf32>,
        tpu.vector_store %arg10[%swap3A_365, %swap3A_366], %add3A_362 {strides = array<i32>} : memref<64x128xf32, #tpu.memory_space<vmem>>, vector<16xf32>,
        %mul3A_368 = arith.constant 8.000000e+00 : f32
        %mul3A_369 = vector.broadcast %mul3A_368 : f32 to vector<16xf32>
        %mul3A_370 = arith.mulf %gather3A_261, %mul3A_369 : vector<16xf32>
        %add3A_371 = arith.addf %mul3A_370, %get3A_294 : vector<16xf32>
        %add3A_372 = arith.constant 1 : i32
        %add3A_373 = arith.addi %mul3A_207, %add3A_372 : i32
        %swap3A_374 = arith.index_cast %add3A_373 : i32 to index
        %swap3A_375 = arith.constant 32 : index
        %swap3A_376 = tpu.vector_load %arg10[%swap3A_374, %swap3A_375] {strides = array<i32>} : memref<64x128xf32, #tpu.memory_space<vmem>>, vector<16xf32>,
        tpu.vector_store %arg10[%swap3A_374, %swap3A_375], %add3A_371 {strides = array<i32>} : memref<64x128xf32, #tpu.memory_space<vmem>>, vector<16xf32>,
        %mul3A_377 = arith.constant 8.000000e+00 : f32
        %mul3A_378 = vector.broadcast %mul3A_377 : f32 to vector<16xf32>
        %mul3A_379 = arith.mulf %gather3A_266, %mul3A_378 : vector<16xf32>
        %add3A_380 = arith.addf %mul3A_379, %get3A_294 : vector<16xf32>
        %add3A_381 = arith.constant 1 : i32
        %add3A_382 = arith.addi %mul3A_207, %add3A_381 : i32
        %swap3A_383 = arith.index_cast %add3A_382 : i32 to index
        %swap3A_384 = arith.constant 48 : index
        %swap3A_385 = tpu.vector_load %arg10[%swap3A_383, %swap3A_384] {strides = array<i32>} : memref<64x128xf32, #tpu.memory_space<vmem>>, vector<16xf32>,
        tpu.vector_store %arg10[%swap3A_383, %swap3A_384], %add3A_380 {strides = array<i32>} : memref<64x128xf32, #tpu.memory_space<vmem>>, vector<16xf32>,
        %mul3A_386 = arith.constant 8.000000e+00 : f32
        %mul3A_387 = vector.broadcast %mul3A_386 : f32 to vector<16xf32>
        %mul3A_388 = arith.mulf %gather3A_271, %mul3A_387 : vector<16xf32>
        %add3A_389 = arith.addf %mul3A_388, %get3A_294 : vector<16xf32>
        %add3A_390 = arith.constant 1 : i32
        %add3A_391 = arith.addi %mul3A_207, %add3A_390 : i32
        %swap3A_392 = arith.index_cast %add3A_391 : i32 to index
        %swap3A_393 = arith.constant 64 : index
        %swap3A_394 = tpu.vector_load %arg10[%swap3A_392, %swap3A_393] {strides = array<i32>} : memref<64x128xf32, #tpu.memory_space<vmem>>, vector<16xf32>,
        tpu.vector_store %arg10[%swap3A_392, %swap3A_393], %add3A_389 {strides = array<i32>} : memref<64x128xf32, #tpu.memory_space<vmem>>, vector<16xf32>,
        %mul3A_395 = arith.constant 8.000000e+00 : f32
        %mul3A_396 = vector.broadcast %mul3A_395 : f32 to vector<16xf32>
        %mul3A_397 = arith.mulf %gather3A_276, %mul3A_396 : vector<16xf32>
        %add3A_398 = arith.addf %mul3A_397, %get3A_294 : vector<16xf32>
        %add3A_399 = arith.constant 1 : i32
        %add3A_400 = arith.addi %mul3A_207, %add3A_399 : i32
        %swap3A_401 = arith.index_cast %add3A_400 : i32 to index
        %swap3A_402 = arith.constant 80 : index
        %swap3A_403 = tpu.vector_load %arg10[%swap3A_401, %swap3A_402] {strides = array<i32>} : memref<64x128xf32, #tpu.memory_space<vmem>>, vector<16xf32>,
        tpu.vector_store %arg10[%swap3A_401, %swap3A_402], %add3A_398 {strides = array<i32>} : memref<64x128xf32, #tpu.memory_space<vmem>>, vector<16xf32>,
        %mul3A_404 = arith.constant 8.000000e+00 : f32
        %mul3A_405 = vector.broadcast %mul3A_404 : f32 to vector<16xf32>
        %mul3A_406 = arith.mulf %gather3A_281, %mul3A_405 : vector<16xf32>
        %add3A_407 = arith.addf %mul3A_406, %get3A_294 : vector<16xf32>
        %add3A_408 = arith.constant 1 : i32
        %add3A_409 = arith.addi %mul3A_207, %add3A_408 : i32
        %swap3A_410 = arith.index_cast %add3A_409 : i32 to index
        %swap3A_411 = arith.constant 96 : index
        %swap3A_412 = tpu.vector_load %arg10[%swap3A_410, %swap3A_411] {strides = array<i32>} : memref<64x128xf32, #tpu.memory_space<vmem>>, vector<16xf32>,
        tpu.vector_store %arg10[%swap3A_410, %swap3A_411], %add3A_407 {strides = array<i32>} : memref<64x128xf32, #tpu.memory_space<vmem>>, vector<16xf32>,
        %mul3A_413 = arith.constant 8.000000e+00 : f32
        %mul3A_414 = vector.broadcast %mul3A_413 : f32 to vector<16xf32>
        %mul3A_415 = arith.mulf %gather3A_286, %mul3A_414 : vector<16xf32>
        %add3A_416 = arith.addf %mul3A_415, %get3A_294 : vector<16xf32>
        %add3A_417 = arith.constant 1 : i32
        %add3A_418 = arith.addi %mul3A_207, %add3A_417 : i32
        %swap3A_419 = arith.index_cast %add3A_418 : i32 to index
        %swap3A_420 = arith.constant 112 : index
        %swap3A_421 = tpu.vector_load %arg10[%swap3A_419, %swap3A_420] {strides = array<i32>} : memref<64x128xf32, #tpu.memory_space<vmem>>, vector<16xf32>,
        tpu.vector_store %arg10[%swap3A_419, %swap3A_420], %add3A_416 {strides = array<i32>} : memref<64x128xf32, #tpu.memory_space<vmem>>, vector<16xf32>,
      }
      %scan3A_114 = arith.constant 32 : i32
      %dma_start3A_115 = arith.constant 0 : i32
      %dma_start3A_116 = tpu.memref_slice %arg5[%mul3A_35, %dma_start3A_115, %mul3A_2] : memref<200x64x4096xf32, #tpu.memory_space<hbm>> -> memref<1x64x128xf32, #tpu.memory_space<hbm>>
      %dma_start3A_117 = tpu.memref_squeeze %dma_start3A_116 : memref<1x64x128xf32, #tpu.memory_space<hbm>> -> memref<64x128xf32, #tpu.memory_space<hbm>>
      %dma_start3A_118 = arith.constant 0 : i32
      %dma_start3A_119 = tpu.memref_slice %arg5[%mul3A_35, %dma_start3A_118, %mul3A_2] : memref<200x64x4096xf32, #tpu.memory_space<hbm>> -> memref<1x64x128xf32, #tpu.memory_space<hbm>>
      %dma_start3A_120 = tpu.memref_squeeze %dma_start3A_119 : memref<1x64x128xf32, #tpu.memory_space<hbm>> -> memref<64x128xf32, #tpu.memory_space<hbm>>
      tpu.enqueue_dma source(%arg10 : memref<64x128xf32, #tpu.memory_space<vmem>>) target(%dma_start3A_120 : memref<64x128xf32, #tpu.memory_space<hbm>>) target_semaphore(%arg16 : memref<!tpu.dma_semaphore, #tpu.memory_space<semaphore_mem>>)
      %lt3A = arith.constant 99 : i32
      %lt3A_121 = arith.cmpi slt, %scan3A_33, %lt3A : i32
      %convert_element_type3A_122 = arith.extui %lt3A_121 : i1 to i32
      %cond3A_123 = arith.constant 0 : i32
      %cond3A_124 = arith.cmpi ne, %convert_element_type3A_122, %cond3A_123 : i32
      scf.if %cond3A_124 {
        %add3A_205 = arith.constant 2 : i32
        %add3A_206 = arith.addi %mul3A_35, %add3A_205 : i32
        %dma_start3A_207 = arith.constant 0 : i32
        %dma_start3A_208 = tpu.memref_slice %arg6[%add3A_206, %dma_start3A_207] : memref<200x128xi32, #tpu.memory_space<vmem>> -> memref<1x128xi32, #tpu.memory_space<vmem>>
        %dma_start3A_209 = tpu.memref_squeeze %dma_start3A_208 : memref<1x128xi32, #tpu.memory_space<vmem>> -> memref<128xi32, #tpu.memory_space<vmem>>
        %dma_start3A_210 = arith.constant 0 : i32
        %dma_start3A_211 = arith.constant 0 : i32
        %dma_start3A_212 = tpu.memref_slice %arg2[%dma_start3A_210, %dma_start3A_211] : memref<500000x128xf32, #tpu.memory_space<hbm>> -> memref<500000x128xf32, #tpu.memory_space<hbm>>
        tpu.enqueue_indirect_dma source(%dma_start3A_212 : memref<500000x128xf32, #tpu.memory_space<hbm>>) target(%arg8 : memref<128x128xf32, #tpu.memory_space<vmem>>) offsets(%dma_start3A_209 : memref<128xi32, #tpu.memory_space<vmem>>) semaphore(%arg14 : memref<!tpu.dma_semaphore, #tpu.memory_space<semaphore_mem>>)
      } else {
      }
      %dma_wait3A_125 = arith.constant 0 : i32
      %dma_wait3A_126 = tpu.memref_slice %arg6[%add3A_39, %dma_wait3A_125] : memref<200x128xi32, #tpu.memory_space<vmem>> -> memref<1x128xi32, #tpu.memory_space<vmem>>
      %dma_wait3A_127 = tpu.memref_squeeze %dma_wait3A_126 : memref<1x128xi32, #tpu.memory_space<vmem>> -> memref<128xi32, #tpu.memory_space<vmem>>
      %dma_wait3A_128 = arith.constant 0 : i32
      %dma_wait3A_129 = arith.constant 0 : i32
      %dma_wait3A_130 = tpu.memref_slice %arg2[%dma_wait3A_128, %dma_wait3A_129] : memref<500000x128xf32, #tpu.memory_space<hbm>> -> memref<500000x128xf32, #tpu.memory_space<hbm>>
      tpu.wait_indirect_dma semaphore(%arg15 : memref<!tpu.dma_semaphore, #tpu.memory_space<semaphore_mem>>) src(%dma_wait3A_130 : memref<500000x128xf32, #tpu.memory_space<hbm>>) dst(%arg9 : memref<128x128xf32, #tpu.memory_space<vmem>>)
      %gt3A_131 = arith.constant 0 : i32
      %gt3A_132 = arith.cmpi sgt, %scan3A_33, %gt3A_131 : i32
      %convert_element_type3A_133 = arith.extui %gt3A_132 : i1 to i32
      %cond3A_134 = arith.constant 0 : i32
      %cond3A_135 = arith.cmpi ne, %convert_element_type3A_133, %cond3A_134 : i32
      scf.if %cond3A_135 {
        %sub3A = arith.constant 2 : i32
        %sub3A_205 = arith.subi %add3A_39, %sub3A : i32
        %dma_wait3A_206 = arith.constant 0 : i32
        %dma_wait3A_207 = tpu.memref_slice %arg5[%sub3A_205, %dma_wait3A_206, %mul3A_2] : memref<200x64x4096xf32, #tpu.memory_space<hbm>> -> memref<1x64x128xf32, #tpu.memory_space<hbm>>
        %dma_wait3A_208 = tpu.memref_squeeze %dma_wait3A_207 : memref<1x64x128xf32, #tpu.memory_space<hbm>> -> memref<64x128xf32, #tpu.memory_space<hbm>>
        %dma_wait3A_209 = arith.constant 0 : i32
        %dma_wait3A_210 = tpu.memref_slice %arg5[%sub3A_205, %dma_wait3A_209, %mul3A_2] : memref<200x64x4096xf32, #tpu.memory_space<hbm>> -> memref<1x64x128xf32, #tpu.memory_space<hbm>>
        %dma_wait3A_211 = tpu.memref_squeeze %dma_wait3A_210 : memref<1x64x128xf32, #tpu.memory_space<hbm>> -> memref<64x128xf32, #tpu.memory_space<hbm>>
        tpu.wait_dma2 semaphore(%arg17 : memref<!tpu.dma_semaphore, #tpu.memory_space<semaphore_mem>>) src(%arg11 : memref<64x128xf32, #tpu.memory_space<vmem>>) dst(%dma_wait3A_211 : memref<64x128xf32, #tpu.memory_space<hbm>>)
      } else {
      }
      %mul3A_136 = arith.constant 64 : i32
      %mul3A_137 = arith.muli %add3A_39, %mul3A_136 : i32
      %broadcast_in_dim3A_138 = vector.broadcast %mul3A_137 : i32 to vector<16xi32>
      %scan3A_139 = arith.constant 0 : i32
      %scan3A_140 = arith.constant 0 : i32
      %scan3A_141 = arith.constant 16 : i32
      %scan3A_142 = arith.addi %scan3A_140, %scan3A_141 : i32
      %scan3A_143 = arith.constant 1 : i32
      scf.for %scan3A_205 = %scan3A_140 to %scan3A_142 step %scan3A_143  : i32 {
        %mul3A_206 = arith.constant 4 : i32
        %mul3A_207 = arith.muli %mul3A_206, %scan3A_205 : i32
        %add3A_208 = arith.constant 0 : i32
        %add3A_209 = arith.addi %mul3A_207, %add3A_208 : i32
        %add3A_210 = vector.broadcast %add3A_209 : i32 to vector<16xi32>
        %add3A_211 = arith.addi %broadcast_in_dim3A_138, %add3A_210 : vector<16xi32>
        %gather3A = tpu.vector_load_idx %arg12[%add3A_211] : memref<12800xf32, #tpu.memory_space<vmem>>[vector<16xi32>], vector<16xf32>,
        %mul3A_212 = arith.constant 4 : i32
        %mul3A_213 = arith.muli %mul3A_212, %scan3A_205 : i32
        %add3A_214 = arith.constant 1 : i32
        %add3A_215 = arith.addi %mul3A_213, %add3A_214 : i32
        %add3A_216 = vector.broadcast %add3A_215 : i32 to vector<16xi32>
        %add3A_217 = arith.addi %broadcast_in_dim3A_138, %add3A_216 : vector<16xi32>
        %gather3A_218 = tpu.vector_load_idx %arg12[%add3A_217] : memref<12800xf32, #tpu.memory_space<vmem>>[vector<16xi32>], vector<16xf32>,
        %mul3A_219 = arith.constant 4 : i32
        %mul3A_220 = arith.muli %mul3A_219, %scan3A_205 : i32
        %add3A_221 = arith.constant 2 : i32
        %add3A_222 = arith.addi %mul3A_220, %add3A_221 : i32
        %add3A_223 = vector.broadcast %add3A_222 : i32 to vector<16xi32>
        %add3A_224 = arith.addi %broadcast_in_dim3A_138, %add3A_223 : vector<16xi32>
        %gather3A_225 = tpu.vector_load_idx %arg12[%add3A_224] : memref<12800xf32, #tpu.memory_space<vmem>>[vector<16xi32>], vector<16xf32>,
        %mul3A_226 = arith.constant 4 : i32
        %mul3A_227 = arith.muli %mul3A_226, %scan3A_205 : i32
        %add3A_228 = arith.constant 3 : i32
        %add3A_229 = arith.addi %mul3A_227, %add3A_228 : i32
        %add3A_230 = vector.broadcast %add3A_229 : i32 to vector<16xi32>
        %add3A_231 = arith.addi %broadcast_in_dim3A_138, %add3A_230 : vector<16xi32>
        %gather3A_232 = tpu.vector_load_idx %arg12[%add3A_231] : memref<12800xf32, #tpu.memory_space<vmem>>[vector<16xi32>], vector<16xf32>,
        %mul3A_233 = arith.constant 4 : i32
        %mul3A_234 = arith.muli %mul3A_233, %scan3A_205 : i32
        %add3A_235 = arith.constant 0 : i32
        %add3A_236 = arith.addi %mul3A_234, %add3A_235 : i32
        %swap3A = arith.index_cast %add3A_236 : i32 to index
        %swap3A_237 = arith.constant 0 : index
        %swap3A_238 = tpu.vector_load %arg13[%swap3A, %swap3A_237] {strides = array<i32>} : memref<64x16xf32, #tpu.memory_space<vmem>>, vector<16xf32>,
        tpu.vector_store %arg13[%swap3A, %swap3A_237], %gather3A {strides = array<i32>} : memref<64x16xf32, #tpu.memory_space<vmem>>, vector<16xf32>,
        %mul3A_239 = arith.constant 4 : i32
        %mul3A_240 = arith.muli %mul3A_239, %scan3A_205 : i32
        %add3A_241 = arith.constant 1 : i32
        %add3A_242 = arith.addi %mul3A_240, %add3A_241 : i32
        %swap3A_243 = arith.index_cast %add3A_242 : i32 to index
        %swap3A_244 = arith.constant 0 : index
        %swap3A_245 = tpu.vector_load %arg13[%swap3A_243, %swap3A_244] {strides = array<i32>} : memref<64x16xf32, #tpu.memory_space<vmem>>, vector<16xf32>,
        tpu.vector_store %arg13[%swap3A_243, %swap3A_244], %gather3A_218 {strides = array<i32>} : memref<64x16xf32, #tpu.memory_space<vmem>>, vector<16xf32>,
        %mul3A_246 = arith.constant 4 : i32
        %mul3A_247 = arith.muli %mul3A_246, %scan3A_205 : i32
        %add3A_248 = arith.constant 2 : i32
        %add3A_249 = arith.addi %mul3A_247, %add3A_248 : i32
        %swap3A_250 = arith.index_cast %add3A_249 : i32 to index
        %swap3A_251 = arith.constant 0 : index
        %swap3A_252 = tpu.vector_load %arg13[%swap3A_250, %swap3A_251] {strides = array<i32>} : memref<64x16xf32, #tpu.memory_space<vmem>>, vector<16xf32>,
        tpu.vector_store %arg13[%swap3A_250, %swap3A_251], %gather3A_225 {strides = array<i32>} : memref<64x16xf32, #tpu.memory_space<vmem>>, vector<16xf32>,
        %mul3A_253 = arith.constant 4 : i32
        %mul3A_254 = arith.muli %mul3A_253, %scan3A_205 : i32
        %add3A_255 = arith.constant 3 : i32
        %add3A_256 = arith.addi %mul3A_254, %add3A_255 : i32
        %swap3A_257 = arith.index_cast %add3A_256 : i32 to index
        %swap3A_258 = arith.constant 0 : index
        %swap3A_259 = tpu.vector_load %arg13[%swap3A_257, %swap3A_258] {strides = array<i32>} : memref<64x16xf32, #tpu.memory_space<vmem>>, vector<16xf32>,
        tpu.vector_store %arg13[%swap3A_257, %swap3A_258], %gather3A_232 {strides = array<i32>} : memref<64x16xf32, #tpu.memory_space<vmem>>, vector<16xf32>,
      }
      %scan3A_144 = arith.constant 16 : i32
      %get3A_145 = arith.index_cast %add3A_39 : i32 to index
      %get3A_146 = arith.constant 0 : index
      %get3A_147 = tpu.vector_load %arg7[%get3A_145, %get3A_146] {strides = array<i32>} : memref<200x128xi32, #tpu.memory_space<vmem>>, vector<16xi32>,
      %get3A_148 = arith.index_cast %add3A_39 : i32 to index
      %get3A_149 = arith.constant 16 : index
      %get3A_150 = tpu.vector_load %arg7[%get3A_148, %get3A_149] {strides = array<i32>} : memref<200x128xi32, #tpu.memory_space<vmem>>, vector<16xi32>,
      %get3A_151 = arith.index_cast %add3A_39 : i32 to index
      %get3A_152 = arith.constant 32 : index
      %get3A_153 = tpu.vector_load %arg7[%get3A_151, %get3A_152] {strides = array<i32>} : memref<200x128xi32, #tpu.memory_space<vmem>>, vector<16xi32>,
      %get3A_154 = arith.index_cast %add3A_39 : i32 to index
      %get3A_155 = arith.constant 48 : index
      %get3A_156 = tpu.vector_load %arg7[%get3A_154, %get3A_155] {strides = array<i32>} : memref<200x128xi32, #tpu.memory_space<vmem>>, vector<16xi32>,
      %get3A_157 = arith.index_cast %add3A_39 : i32 to index
      %get3A_158 = arith.constant 64 : index
      %get3A_159 = tpu.vector_load %arg7[%get3A_157, %get3A_158] {strides = array<i32>} : memref<200x128xi32, #tpu.memory_space<vmem>>, vector<16xi32>,
      %get3A_160 = arith.index_cast %add3A_39 : i32 to index
      %get3A_161 = arith.constant 80 : index
      %get3A_162 = tpu.vector_load %arg7[%get3A_160, %get3A_161] {strides = array<i32>} : memref<200x128xi32, #tpu.memory_space<vmem>>, vector<16xi32>,
      %get3A_163 = arith.index_cast %add3A_39 : i32 to index
      %get3A_164 = arith.constant 96 : index
      %get3A_165 = tpu.vector_load %arg7[%get3A_163, %get3A_164] {strides = array<i32>} : memref<200x128xi32, #tpu.memory_space<vmem>>, vector<16xi32>,
      %get3A_166 = arith.index_cast %add3A_39 : i32 to index
      %get3A_167 = arith.constant 112 : index
      %get3A_168 = tpu.vector_load %arg7[%get3A_166, %get3A_167] {strides = array<i32>} : memref<200x128xi32, #tpu.memory_space<vmem>>, vector<16xi32>,
      %add3A_169 = arith.constant 0 : i32
      %add3A_170 = vector.broadcast %add3A_169 : i32 to vector<16xi32>
      %add3A_171 = arith.addi %iota3A, %add3A_170 : vector<16xi32>
      %add3A_172 = arith.constant 16 : i32
      %add3A_173 = vector.broadcast %add3A_172 : i32 to vector<16xi32>
      %add3A_174 = arith.addi %iota3A, %add3A_173 : vector<16xi32>
      %add3A_175 = arith.constant 32 : i32
      %add3A_176 = vector.broadcast %add3A_175 : i32 to vector<16xi32>
      %add3A_177 = arith.addi %iota3A, %add3A_176 : vector<16xi32>
      %add3A_178 = arith.constant 48 : i32
      %add3A_179 = vector.broadcast %add3A_178 : i32 to vector<16xi32>
      %add3A_180 = arith.addi %iota3A, %add3A_179 : vector<16xi32>
      %add3A_181 = arith.constant 64 : i32
      %add3A_182 = vector.broadcast %add3A_181 : i32 to vector<16xi32>
      %add3A_183 = arith.addi %iota3A, %add3A_182 : vector<16xi32>
      %add3A_184 = arith.constant 80 : i32
      %add3A_185 = vector.broadcast %add3A_184 : i32 to vector<16xi32>
      %add3A_186 = arith.addi %iota3A, %add3A_185 : vector<16xi32>
      %add3A_187 = arith.constant 96 : i32
      %add3A_188 = vector.broadcast %add3A_187 : i32 to vector<16xi32>
      %add3A_189 = arith.addi %iota3A, %add3A_188 : vector<16xi32>
      %add3A_190 = arith.constant 112 : i32
      %add3A_191 = vector.broadcast %add3A_190 : i32 to vector<16xi32>
      %add3A_192 = arith.addi %iota3A, %add3A_191 : vector<16xi32>
      %scan3A_193 = arith.constant 0 : i32
      %scan3A_194 = arith.constant 0 : i32
      %scan3A_195 = arith.constant 32 : i32
      %scan3A_196 = arith.addi %scan3A_194, %scan3A_195 : i32
      %scan3A_197 = arith.constant 1 : i32
      scf.for %scan3A_205 = %scan3A_194 to %scan3A_196 step %scan3A_197  : i32 {
        %mul3A_206 = arith.constant 2 : i32
        %mul3A_207 = arith.muli %mul3A_206, %scan3A_205 : i32
        %add3A_208 = arith.constant 0 : i32
        %add3A_209 = arith.addi %mul3A_207, %add3A_208 : i32
        %add3A_210 = vector.broadcast %add3A_209 : i32 to vector<16xi32>
        %add3A_211 = arith.addi %get3A_147, %add3A_210 : vector<16xi32>
        %gather3A = tpu.vector_load_idx %arg9[%add3A_171, %add3A_211] : memref<128x128xf32, #tpu.memory_space<vmem>>[vector<16xi32>, vector<16xi32>], vector<16xf32>,
        %add3A_212 = arith.constant 0 : i32
        %add3A_213 = arith.addi %mul3A_207, %add3A_212 : i32
        %add3A_214 = vector.broadcast %add3A_213 : i32 to vector<16xi32>
        %add3A_215 = arith.addi %get3A_150, %add3A_214 : vector<16xi32>
        %gather3A_216 = tpu.vector_load_idx %arg9[%add3A_174, %add3A_215] : memref<128x128xf32, #tpu.memory_space<vmem>>[vector<16xi32>, vector<16xi32>], vector<16xf32>,
        %add3A_217 = arith.constant 0 : i32
        %add3A_218 = arith.addi %mul3A_207, %add3A_217 : i32
        %add3A_219 = vector.broadcast %add3A_218 : i32 to vector<16xi32>
        %add3A_220 = arith.addi %get3A_153, %add3A_219 : vector<16xi32>
        %gather3A_221 = tpu.vector_load_idx %arg9[%add3A_177, %add3A_220] : memref<128x128xf32, #tpu.memory_space<vmem>>[vector<16xi32>, vector<16xi32>], vector<16xf32>,
        %add3A_222 = arith.constant 0 : i32
        %add3A_223 = arith.addi %mul3A_207, %add3A_222 : i32
        %add3A_224 = vector.broadcast %add3A_223 : i32 to vector<16xi32>
        %add3A_225 = arith.addi %get3A_156, %add3A_224 : vector<16xi32>
        %gather3A_226 = tpu.vector_load_idx %arg9[%add3A_180, %add3A_225] : memref<128x128xf32, #tpu.memory_space<vmem>>[vector<16xi32>, vector<16xi32>], vector<16xf32>,
        %add3A_227 = arith.constant 0 : i32
        %add3A_228 = arith.addi %mul3A_207, %add3A_227 : i32
        %add3A_229 = vector.broadcast %add3A_228 : i32 to vector<16xi32>
        %add3A_230 = arith.addi %get3A_159, %add3A_229 : vector<16xi32>
        %gather3A_231 = tpu.vector_load_idx %arg9[%add3A_183, %add3A_230] : memref<128x128xf32, #tpu.memory_space<vmem>>[vector<16xi32>, vector<16xi32>], vector<16xf32>,
        %add3A_232 = arith.constant 0 : i32
        %add3A_233 = arith.addi %mul3A_207, %add3A_232 : i32
        %add3A_234 = vector.broadcast %add3A_233 : i32 to vector<16xi32>
        %add3A_235 = arith.addi %get3A_162, %add3A_234 : vector<16xi32>
        %gather3A_236 = tpu.vector_load_idx %arg9[%add3A_186, %add3A_235] : memref<128x128xf32, #tpu.memory_space<vmem>>[vector<16xi32>, vector<16xi32>], vector<16xf32>,
        %add3A_237 = arith.constant 0 : i32
        %add3A_238 = arith.addi %mul3A_207, %add3A_237 : i32
        %add3A_239 = vector.broadcast %add3A_238 : i32 to vector<16xi32>
        %add3A_240 = arith.addi %get3A_165, %add3A_239 : vector<16xi32>
        %gather3A_241 = tpu.vector_load_idx %arg9[%add3A_189, %add3A_240] : memref<128x128xf32, #tpu.memory_space<vmem>>[vector<16xi32>, vector<16xi32>], vector<16xf32>,
        %add3A_242 = arith.constant 0 : i32
        %add3A_243 = arith.addi %mul3A_207, %add3A_242 : i32
        %add3A_244 = vector.broadcast %add3A_243 : i32 to vector<16xi32>
        %add3A_245 = arith.addi %get3A_168, %add3A_244 : vector<16xi32>
        %gather3A_246 = tpu.vector_load_idx %arg9[%add3A_192, %add3A_245] : memref<128x128xf32, #tpu.memory_space<vmem>>[vector<16xi32>, vector<16xi32>], vector<16xf32>,
        %add3A_247 = arith.constant 1 : i32
        %add3A_248 = arith.addi %mul3A_207, %add3A_247 : i32
        %add3A_249 = vector.broadcast %add3A_248 : i32 to vector<16xi32>
        %add3A_250 = arith.addi %get3A_147, %add3A_249 : vector<16xi32>
        %gather3A_251 = tpu.vector_load_idx %arg9[%add3A_171, %add3A_250] : memref<128x128xf32, #tpu.memory_space<vmem>>[vector<16xi32>, vector<16xi32>], vector<16xf32>,
        %add3A_252 = arith.constant 1 : i32
        %add3A_253 = arith.addi %mul3A_207, %add3A_252 : i32
        %add3A_254 = vector.broadcast %add3A_253 : i32 to vector<16xi32>
        %add3A_255 = arith.addi %get3A_150, %add3A_254 : vector<16xi32>
        %gather3A_256 = tpu.vector_load_idx %arg9[%add3A_174, %add3A_255] : memref<128x128xf32, #tpu.memory_space<vmem>>[vector<16xi32>, vector<16xi32>], vector<16xf32>,
        %add3A_257 = arith.constant 1 : i32
        %add3A_258 = arith.addi %mul3A_207, %add3A_257 : i32
        %add3A_259 = vector.broadcast %add3A_258 : i32 to vector<16xi32>
        %add3A_260 = arith.addi %get3A_153, %add3A_259 : vector<16xi32>
        %gather3A_261 = tpu.vector_load_idx %arg9[%add3A_177, %add3A_260] : memref<128x128xf32, #tpu.memory_space<vmem>>[vector<16xi32>, vector<16xi32>], vector<16xf32>,
        %add3A_262 = arith.constant 1 : i32
        %add3A_263 = arith.addi %mul3A_207, %add3A_262 : i32
        %add3A_264 = vector.broadcast %add3A_263 : i32 to vector<16xi32>
        %add3A_265 = arith.addi %get3A_156, %add3A_264 : vector<16xi32>
        %gather3A_266 = tpu.vector_load_idx %arg9[%add3A_180, %add3A_265] : memref<128x128xf32, #tpu.memory_space<vmem>>[vector<16xi32>, vector<16xi32>], vector<16xf32>,
        %add3A_267 = arith.constant 1 : i32
        %add3A_268 = arith.addi %mul3A_207, %add3A_267 : i32
        %add3A_269 = vector.broadcast %add3A_268 : i32 to vector<16xi32>
        %add3A_270 = arith.addi %get3A_159, %add3A_269 : vector<16xi32>
        %gather3A_271 = tpu.vector_load_idx %arg9[%add3A_183, %add3A_270] : memref<128x128xf32, #tpu.memory_space<vmem>>[vector<16xi32>, vector<16xi32>], vector<16xf32>,
        %add3A_272 = arith.constant 1 : i32
        %add3A_273 = arith.addi %mul3A_207, %add3A_272 : i32
        %add3A_274 = vector.broadcast %add3A_273 : i32 to vector<16xi32>
        %add3A_275 = arith.addi %get3A_162, %add3A_274 : vector<16xi32>
        %gather3A_276 = tpu.vector_load_idx %arg9[%add3A_186, %add3A_275] : memref<128x128xf32, #tpu.memory_space<vmem>>[vector<16xi32>, vector<16xi32>], vector<16xf32>,
        %add3A_277 = arith.constant 1 : i32
        %add3A_278 = arith.addi %mul3A_207, %add3A_277 : i32
        %add3A_279 = vector.broadcast %add3A_278 : i32 to vector<16xi32>
        %add3A_280 = arith.addi %get3A_165, %add3A_279 : vector<16xi32>
        %gather3A_281 = tpu.vector_load_idx %arg9[%add3A_189, %add3A_280] : memref<128x128xf32, #tpu.memory_space<vmem>>[vector<16xi32>, vector<16xi32>], vector<16xf32>,
        %add3A_282 = arith.constant 1 : i32
        %add3A_283 = arith.addi %mul3A_207, %add3A_282 : i32
        %add3A_284 = vector.broadcast %add3A_283 : i32 to vector<16xi32>
        %add3A_285 = arith.addi %get3A_168, %add3A_284 : vector<16xi32>
        %gather3A_286 = tpu.vector_load_idx %arg9[%add3A_192, %add3A_285] : memref<128x128xf32, #tpu.memory_space<vmem>>[vector<16xi32>, vector<16xi32>], vector<16xf32>,
        %get3A_287 = arith.index_cast %mul3A_207 : i32 to index
        %get3A_288 = arith.constant 0 : index
        %get3A_289 = tpu.vector_load %arg13[%get3A_287, %get3A_288] {strides = array<i32>} : memref<64x16xf32, #tpu.memory_space<vmem>>, vector<16xf32>,
        %add3A_290 = arith.constant 1 : i32
        %add3A_291 = arith.addi %mul3A_207, %add3A_290 : i32
        %get3A_292 = arith.index_cast %add3A_291 : i32 to index
        %get3A_293 = arith.constant 0 : index
        %get3A_294 = tpu.vector_load %arg13[%get3A_292, %get3A_293] {strides = array<i32>} : memref<64x16xf32, #tpu.memory_space<vmem>>, vector<16xf32>,
        %mul3A_295 = arith.constant 8.000000e+00 : f32
        %mul3A_296 = vector.broadcast %mul3A_295 : f32 to vector<16xf32>
        %mul3A_297 = arith.mulf %gather3A, %mul3A_296 : vector<16xf32>
        %add3A_298 = arith.addf %mul3A_297, %get3A_289 : vector<16xf32>
        %swap3A = arith.index_cast %mul3A_207 : i32 to index
        %swap3A_299 = arith.constant 0 : index
        %swap3A_300 = tpu.vector_load %arg11[%swap3A, %swap3A_299] {strides = array<i32>} : memref<64x128xf32, #tpu.memory_space<vmem>>, vector<16xf32>,
        tpu.vector_store %arg11[%swap3A, %swap3A_299], %add3A_298 {strides = array<i32>} : memref<64x128xf32, #tpu.memory_space<vmem>>, vector<16xf32>,
        %mul3A_301 = arith.constant 8.000000e+00 : f32
        %mul3A_302 = vector.broadcast %mul3A_301 : f32 to vector<16xf32>
        %mul3A_303 = arith.mulf %gather3A_216, %mul3A_302 : vector<16xf32>
        %add3A_304 = arith.addf %mul3A_303, %get3A_289 : vector<16xf32>
        %swap3A_305 = arith.index_cast %mul3A_207 : i32 to index
        %swap3A_306 = arith.constant 16 : index
        %swap3A_307 = tpu.vector_load %arg11[%swap3A_305, %swap3A_306] {strides = array<i32>} : memref<64x128xf32, #tpu.memory_space<vmem>>, vector<16xf32>,
        tpu.vector_store %arg11[%swap3A_305, %swap3A_306], %add3A_304 {strides = array<i32>} : memref<64x128xf32, #tpu.memory_space<vmem>>, vector<16xf32>,
        %mul3A_308 = arith.constant 8.000000e+00 : f32
        %mul3A_309 = vector.broadcast %mul3A_308 : f32 to vector<16xf32>
        %mul3A_310 = arith.mulf %gather3A_221, %mul3A_309 : vector<16xf32>
        %add3A_311 = arith.addf %mul3A_310, %get3A_289 : vector<16xf32>
        %swap3A_312 = arith.index_cast %mul3A_207 : i32 to index
        %swap3A_313 = arith.constant 32 : index
        %swap3A_314 = tpu.vector_load %arg11[%swap3A_312, %swap3A_313] {strides = array<i32>} : memref<64x128xf32, #tpu.memory_space<vmem>>, vector<16xf32>,
        tpu.vector_store %arg11[%swap3A_312, %swap3A_313], %add3A_311 {strides = array<i32>} : memref<64x128xf32, #tpu.memory_space<vmem>>, vector<16xf32>,
        %mul3A_315 = arith.constant 8.000000e+00 : f32
        %mul3A_316 = vector.broadcast %mul3A_315 : f32 to vector<16xf32>
        %mul3A_317 = arith.mulf %gather3A_226, %mul3A_316 : vector<16xf32>
        %add3A_318 = arith.addf %mul3A_317, %get3A_289 : vector<16xf32>
        %swap3A_319 = arith.index_cast %mul3A_207 : i32 to index
        %swap3A_320 = arith.constant 48 : index
        %swap3A_321 = tpu.vector_load %arg11[%swap3A_319, %swap3A_320] {strides = array<i32>} : memref<64x128xf32, #tpu.memory_space<vmem>>, vector<16xf32>,
        tpu.vector_store %arg11[%swap3A_319, %swap3A_320], %add3A_318 {strides = array<i32>} : memref<64x128xf32, #tpu.memory_space<vmem>>, vector<16xf32>,
        %mul3A_322 = arith.constant 8.000000e+00 : f32
        %mul3A_323 = vector.broadcast %mul3A_322 : f32 to vector<16xf32>
        %mul3A_324 = arith.mulf %gather3A_231, %mul3A_323 : vector<16xf32>
        %add3A_325 = arith.addf %mul3A_324, %get3A_289 : vector<16xf32>
        %swap3A_326 = arith.index_cast %mul3A_207 : i32 to index
        %swap3A_327 = arith.constant 64 : index
        %swap3A_328 = tpu.vector_load %arg11[%swap3A_326, %swap3A_327] {strides = array<i32>} : memref<64x128xf32, #tpu.memory_space<vmem>>, vector<16xf32>,
        tpu.vector_store %arg11[%swap3A_326, %swap3A_327], %add3A_325 {strides = array<i32>} : memref<64x128xf32, #tpu.memory_space<vmem>>, vector<16xf32>,
        %mul3A_329 = arith.constant 8.000000e+00 : f32
        %mul3A_330 = vector.broadcast %mul3A_329 : f32 to vector<16xf32>
        %mul3A_331 = arith.mulf %gather3A_236, %mul3A_330 : vector<16xf32>
        %add3A_332 = arith.addf %mul3A_331, %get3A_289 : vector<16xf32>
        %swap3A_333 = arith.index_cast %mul3A_207 : i32 to index
        %swap3A_334 = arith.constant 80 : index
        %swap3A_335 = tpu.vector_load %arg11[%swap3A_333, %swap3A_334] {strides = array<i32>} : memref<64x128xf32, #tpu.memory_space<vmem>>, vector<16xf32>,
        tpu.vector_store %arg11[%swap3A_333, %swap3A_334], %add3A_332 {strides = array<i32>} : memref<64x128xf32, #tpu.memory_space<vmem>>, vector<16xf32>,
        %mul3A_336 = arith.constant 8.000000e+00 : f32
        %mul3A_337 = vector.broadcast %mul3A_336 : f32 to vector<16xf32>
        %mul3A_338 = arith.mulf %gather3A_241, %mul3A_337 : vector<16xf32>
        %add3A_339 = arith.addf %mul3A_338, %get3A_289 : vector<16xf32>
        %swap3A_340 = arith.index_cast %mul3A_207 : i32 to index
        %swap3A_341 = arith.constant 96 : index
        %swap3A_342 = tpu.vector_load %arg11[%swap3A_340, %swap3A_341] {strides = array<i32>} : memref<64x128xf32, #tpu.memory_space<vmem>>, vector<16xf32>,
        tpu.vector_store %arg11[%swap3A_340, %swap3A_341], %add3A_339 {strides = array<i32>} : memref<64x128xf32, #tpu.memory_space<vmem>>, vector<16xf32>,
        %mul3A_343 = arith.constant 8.000000e+00 : f32
        %mul3A_344 = vector.broadcast %mul3A_343 : f32 to vector<16xf32>
        %mul3A_345 = arith.mulf %gather3A_246, %mul3A_344 : vector<16xf32>
        %add3A_346 = arith.addf %mul3A_345, %get3A_289 : vector<16xf32>
        %swap3A_347 = arith.index_cast %mul3A_207 : i32 to index
        %swap3A_348 = arith.constant 112 : index
        %swap3A_349 = tpu.vector_load %arg11[%swap3A_347, %swap3A_348] {strides = array<i32>} : memref<64x128xf32, #tpu.memory_space<vmem>>, vector<16xf32>,
        tpu.vector_store %arg11[%swap3A_347, %swap3A_348], %add3A_346 {strides = array<i32>} : memref<64x128xf32, #tpu.memory_space<vmem>>, vector<16xf32>,
        %mul3A_350 = arith.constant 8.000000e+00 : f32
        %mul3A_351 = vector.broadcast %mul3A_350 : f32 to vector<16xf32>
        %mul3A_352 = arith.mulf %gather3A_251, %mul3A_351 : vector<16xf32>
        %add3A_353 = arith.addf %mul3A_352, %get3A_294 : vector<16xf32>
        %add3A_354 = arith.constant 1 : i32
        %add3A_355 = arith.addi %mul3A_207, %add3A_354 : i32
        %swap3A_356 = arith.index_cast %add3A_355 : i32 to index
        %swap3A_357 = arith.constant 0 : index
        %swap3A_358 = tpu.vector_load %arg11[%swap3A_356, %swap3A_357] {strides = array<i32>} : memref<64x128xf32, #tpu.memory_space<vmem>>, vector<16xf32>,
        tpu.vector_store %arg11[%swap3A_356, %swap3A_357], %add3A_353 {strides = array<i32>} : memref<64x128xf32, #tpu.memory_space<vmem>>, vector<16xf32>,
        %mul3A_359 = arith.constant 8.000000e+00 : f32
        %mul3A_360 = vector.broadcast %mul3A_359 : f32 to vector<16xf32>
        %mul3A_361 = arith.mulf %gather3A_256, %mul3A_360 : vector<16xf32>
        %add3A_362 = arith.addf %mul3A_361, %get3A_294 : vector<16xf32>
        %add3A_363 = arith.constant 1 : i32
        %add3A_364 = arith.addi %mul3A_207, %add3A_363 : i32
        %swap3A_365 = arith.index_cast %add3A_364 : i32 to index
        %swap3A_366 = arith.constant 16 : index
        %swap3A_367 = tpu.vector_load %arg11[%swap3A_365, %swap3A_366] {strides = array<i32>} : memref<64x128xf32, #tpu.memory_space<vmem>>, vector<16xf32>,
        tpu.vector_store %arg11[%swap3A_365, %swap3A_366], %add3A_362 {strides = array<i32>} : memref<64x128xf32, #tpu.memory_space<vmem>>, vector<16xf32>,
        %mul3A_368 = arith.constant 8.000000e+00 : f32
        %mul3A_369 = vector.broadcast %mul3A_368 : f32 to vector<16xf32>
        %mul3A_370 = arith.mulf %gather3A_261, %mul3A_369 : vector<16xf32>
        %add3A_371 = arith.addf %mul3A_370, %get3A_294 : vector<16xf32>
        %add3A_372 = arith.constant 1 : i32
        %add3A_373 = arith.addi %mul3A_207, %add3A_372 : i32
        %swap3A_374 = arith.index_cast %add3A_373 : i32 to index
        %swap3A_375 = arith.constant 32 : index
        %swap3A_376 = tpu.vector_load %arg11[%swap3A_374, %swap3A_375] {strides = array<i32>} : memref<64x128xf32, #tpu.memory_space<vmem>>, vector<16xf32>,
        tpu.vector_store %arg11[%swap3A_374, %swap3A_375], %add3A_371 {strides = array<i32>} : memref<64x128xf32, #tpu.memory_space<vmem>>, vector<16xf32>,
        %mul3A_377 = arith.constant 8.000000e+00 : f32
        %mul3A_378 = vector.broadcast %mul3A_377 : f32 to vector<16xf32>
        %mul3A_379 = arith.mulf %gather3A_266, %mul3A_378 : vector<16xf32>
        %add3A_380 = arith.addf %mul3A_379, %get3A_294 : vector<16xf32>
        %add3A_381 = arith.constant 1 : i32
        %add3A_382 = arith.addi %mul3A_207, %add3A_381 : i32
        %swap3A_383 = arith.index_cast %add3A_382 : i32 to index
        %swap3A_384 = arith.constant 48 : index
        %swap3A_385 = tpu.vector_load %arg11[%swap3A_383, %swap3A_384] {strides = array<i32>} : memref<64x128xf32, #tpu.memory_space<vmem>>, vector<16xf32>,
        tpu.vector_store %arg11[%swap3A_383, %swap3A_384], %add3A_380 {strides = array<i32>} : memref<64x128xf32, #tpu.memory_space<vmem>>, vector<16xf32>,
        %mul3A_386 = arith.constant 8.000000e+00 : f32
        %mul3A_387 = vector.broadcast %mul3A_386 : f32 to vector<16xf32>
        %mul3A_388 = arith.mulf %gather3A_271, %mul3A_387 : vector<16xf32>
        %add3A_389 = arith.addf %mul3A_388, %get3A_294 : vector<16xf32>
        %add3A_390 = arith.constant 1 : i32
        %add3A_391 = arith.addi %mul3A_207, %add3A_390 : i32
        %swap3A_392 = arith.index_cast %add3A_391 : i32 to index
        %swap3A_393 = arith.constant 64 : index
        %swap3A_394 = tpu.vector_load %arg11[%swap3A_392, %swap3A_393] {strides = array<i32>} : memref<64x128xf32, #tpu.memory_space<vmem>>, vector<16xf32>,
        tpu.vector_store %arg11[%swap3A_392, %swap3A_393], %add3A_389 {strides = array<i32>} : memref<64x128xf32, #tpu.memory_space<vmem>>, vector<16xf32>,
        %mul3A_395 = arith.constant 8.000000e+00 : f32
        %mul3A_396 = vector.broadcast %mul3A_395 : f32 to vector<16xf32>
        %mul3A_397 = arith.mulf %gather3A_276, %mul3A_396 : vector<16xf32>
        %add3A_398 = arith.addf %mul3A_397, %get3A_294 : vector<16xf32>
        %add3A_399 = arith.constant 1 : i32
        %add3A_400 = arith.addi %mul3A_207, %add3A_399 : i32
        %swap3A_401 = arith.index_cast %add3A_400 : i32 to index
        %swap3A_402 = arith.constant 80 : index
        %swap3A_403 = tpu.vector_load %arg11[%swap3A_401, %swap3A_402] {strides = array<i32>} : memref<64x128xf32, #tpu.memory_space<vmem>>, vector<16xf32>,
        tpu.vector_store %arg11[%swap3A_401, %swap3A_402], %add3A_398 {strides = array<i32>} : memref<64x128xf32, #tpu.memory_space<vmem>>, vector<16xf32>,
        %mul3A_404 = arith.constant 8.000000e+00 : f32
        %mul3A_405 = vector.broadcast %mul3A_404 : f32 to vector<16xf32>
        %mul3A_406 = arith.mulf %gather3A_281, %mul3A_405 : vector<16xf32>
        %add3A_407 = arith.addf %mul3A_406, %get3A_294 : vector<16xf32>
        %add3A_408 = arith.constant 1 : i32
        %add3A_409 = arith.addi %mul3A_207, %add3A_408 : i32
        %swap3A_410 = arith.index_cast %add3A_409 : i32 to index
        %swap3A_411 = arith.constant 96 : index
        %swap3A_412 = tpu.vector_load %arg11[%swap3A_410, %swap3A_411] {strides = array<i32>} : memref<64x128xf32, #tpu.memory_space<vmem>>, vector<16xf32>,
        tpu.vector_store %arg11[%swap3A_410, %swap3A_411], %add3A_407 {strides = array<i32>} : memref<64x128xf32, #tpu.memory_space<vmem>>, vector<16xf32>,
        %mul3A_413 = arith.constant 8.000000e+00 : f32
        %mul3A_414 = vector.broadcast %mul3A_413 : f32 to vector<16xf32>
        %mul3A_415 = arith.mulf %gather3A_286, %mul3A_414 : vector<16xf32>
        %add3A_416 = arith.addf %mul3A_415, %get3A_294 : vector<16xf32>
        %add3A_417 = arith.constant 1 : i32
        %add3A_418 = arith.addi %mul3A_207, %add3A_417 : i32
        %swap3A_419 = arith.index_cast %add3A_418 : i32 to index
        %swap3A_420 = arith.constant 112 : index
        %swap3A_421 = tpu.vector_load %arg11[%swap3A_419, %swap3A_420] {strides = array<i32>} : memref<64x128xf32, #tpu.memory_space<vmem>>, vector<16xf32>,
        tpu.vector_store %arg11[%swap3A_419, %swap3A_420], %add3A_416 {strides = array<i32>} : memref<64x128xf32, #tpu.memory_space<vmem>>, vector<16xf32>,
      }
      %scan3A_198 = arith.constant 32 : i32
      %dma_start3A_199 = arith.constant 0 : i32
      %dma_start3A_200 = tpu.memref_slice %arg5[%add3A_39, %dma_start3A_199, %mul3A_2] : memref<200x64x4096xf32, #tpu.memory_space<hbm>> -> memref<1x64x128xf32, #tpu.memory_space<hbm>>
      %dma_start3A_201 = tpu.memref_squeeze %dma_start3A_200 : memref<1x64x128xf32, #tpu.memory_space<hbm>> -> memref<64x128xf32, #tpu.memory_space<hbm>>
      %dma_start3A_202 = arith.constant 0 : i32
      %dma_start3A_203 = tpu.memref_slice %arg5[%add3A_39, %dma_start3A_202, %mul3A_2] : memref<200x64x4096xf32, #tpu.memory_space<hbm>> -> memref<1x64x128xf32, #tpu.memory_space<hbm>>
      %dma_start3A_204 = tpu.memref_squeeze %dma_start3A_203 : memref<1x64x128xf32, #tpu.memory_space<hbm>> -> memref<64x128xf32, #tpu.memory_space<hbm>>
      tpu.enqueue_dma source(%arg11 : memref<64x128xf32, #tpu.memory_space<vmem>>) target(%dma_start3A_204 : memref<64x128xf32, #tpu.memory_space<hbm>>) target_semaphore(%arg17 : memref<!tpu.dma_semaphore, #tpu.memory_space<semaphore_mem>>)
    }
    %scan3A_19 = arith.constant 100 : i32
    %dma_wait3A = arith.constant 198 : i32
    %dma_wait3A_20 = arith.constant 0 : i32
    %dma_wait3A_21 = tpu.memref_slice %arg5[%dma_wait3A, %dma_wait3A_20, %mul3A_2] : memref<200x64x4096xf32, #tpu.memory_space<hbm>> -> memref<1x64x128xf32, #tpu.memory_space<hbm>>
    %dma_wait3A_22 = tpu.memref_squeeze %dma_wait3A_21 : memref<1x64x128xf32, #tpu.memory_space<hbm>> -> memref<64x128xf32, #tpu.memory_space<hbm>>
    %dma_wait3A_23 = arith.constant 0 : i32
    %dma_wait3A_24 = tpu.memref_slice %arg5[%dma_wait3A, %dma_wait3A_23, %mul3A_2] : memref<200x64x4096xf32, #tpu.memory_space<hbm>> -> memref<1x64x128xf32, #tpu.memory_space<hbm>>
    %dma_wait3A_25 = tpu.memref_squeeze %dma_wait3A_24 : memref<1x64x128xf32, #tpu.memory_space<hbm>> -> memref<64x128xf32, #tpu.memory_space<hbm>>
    tpu.wait_dma2 semaphore(%arg16 : memref<!tpu.dma_semaphore, #tpu.memory_space<semaphore_mem>>) src(%arg10 : memref<64x128xf32, #tpu.memory_space<vmem>>) dst(%dma_wait3A_25 : memref<64x128xf32, #tpu.memory_space<hbm>>)
    %dma_wait3A_26 = arith.constant 199 : i32
    %dma_wait3A_27 = arith.constant 0 : i32
    %dma_wait3A_28 = tpu.memref_slice %arg5[%dma_wait3A_26, %dma_wait3A_27, %mul3A_2] : memref<200x64x4096xf32, #tpu.memory_space<hbm>> -> memref<1x64x128xf32, #tpu.memory_space<hbm>>
    %dma_wait3A_29 = tpu.memref_squeeze %dma_wait3A_28 : memref<1x64x128xf32, #tpu.memory_space<hbm>> -> memref<64x128xf32, #tpu.memory_space<hbm>>
    %dma_wait3A_30 = arith.constant 0 : i32
    %dma_wait3A_31 = tpu.memref_slice %arg5[%dma_wait3A_26, %dma_wait3A_30, %mul3A_2] : memref<200x64x4096xf32, #tpu.memory_space<hbm>> -> memref<1x64x128xf32, #tpu.memory_space<hbm>>
    %dma_wait3A_32 = tpu.memref_squeeze %dma_wait3A_31 : memref<1x64x128xf32, #tpu.memory_space<hbm>> -> memref<64x128xf32, #tpu.memory_space<hbm>>
    tpu.wait_dma2 semaphore(%arg17 : memref<!tpu.dma_semaphore, #tpu.memory_space<semaphore_mem>>) src(%arg11 : memref<64x128xf32, #tpu.memory_space<vmem>>) dst(%dma_wait3A_32 : memref<64x128xf32, #tpu.memory_space<hbm>>)
    return
  }
}

</mosaic_0001>

<sc_bundles>
// kernel: kernel.3.cloned.1.call-start
scs
__scs_entry_jumppad:
0x0: {  	(pc) =	sbr.rel $0x88, $3  }
0x1: {  	(tag) =	ssettag $0x0;
	lr =	simm.s32 $0x1  }
0x2: {  	[smem:$0x3F9F] =	sst lr;
	_ =	strace $0xD0000000  }
0x3: {  	_ = 	snop  }
0x4: {  	_ = 	snop  }
0x5: {  	_ = 	snop  }
0x6: {  	_ = 	snop  }
0x7: {  	_ = 	snop  }
__scs_overlays_trampoline_lowered:
0x8: {  	[smem:$0x3FAE] =	sst s0  }
0x9: {  	[smem:$0x3FAF] =	sst s1  }
0xa: {  	[smem:$0x3FB0] =	sst s2  }
0xb: {  	[smem:$0x3FB1] =	sst s3  }
0xc: {  	[smem:$0x3FB2] =	sst s4  }
0xd: {  	[smem:$0x3FB3] =	sst s5  }
0xe: {  	[smem:$0x3FB4] =	sst s6  }
0xf: {  	[smem:$0x3FB5] =	sst s7  }
0x10: {  	[smem:$0x3FB6] =	sst s8  }
0x11: {  	[smem:$0x3FB7] =	sst s9;
	s0 =	simm.s32 @!p0 $0x0  }
0x12: {  	s1 =	sld [smem:$0x3F9D];
	s0 =	simm.s32 @p0 $0x1  }
0x13: {  	[smem:$0x3FB8] =	sst s0;
	s0 =	simm.s32 @!p1 $0x0  }
0x14: {  	s2 =	sld [smem:$0x3F9C];
	s0 =	simm.s32 @p1 $0x1  }
0x15: {  	[smem:$0x3FB9] =	sst s0;
	s0 =	simm.s32 @!p2 $0x0  }
0x16: {  	s3 =	sld [smem:$0x3FDB];
	s0 =	simm.s32 @p2 $0x1  }
0x17: {  	s4 =	simm.s32 $0x1BF5;
	[smem:$0x3FBB] =	sst s0  }
0x18: {  	s0 =	sld [smem:$0x3F9E];
	_ =	swait.ge [sflag:s4], $0x0  }
0x19: {  	s7 =	sld [smem:$0x3F9F]  }
0x1a: {  	s8 =	sadd.s32 $0xFFFFE003, lr  }
0x1b: {  	s9 =	sadd.s32 $0xFFFFFEF7, lr;
	s5 =	simm.s32 $0xFFFFFFFF;
	p2 =	slt.u32 s8, $0xFFFFF086  }
0x1c: {  	p1 =	slt.u32 s9, $0xF7A;
	s5 =	simm.s32 @!p2 $0x0  }
0x1d: {  	s5 =	simm.s32 @p1 $0x1;
	p0 =	seq.s32 s7, s2  }
0x1e: {  	s7 =	smul.u32 @!p0 $0xF7A, s2;
	p2 =	seq.s32 @!p0 s5, $0x0  }
0x1f: {  	s9 =	smul.u32 $0xF7A, s1;
	s8 =	simm.s32 @!p0 $0x1BF5;
	p2 =	por !p2, p0  }
0x20: {  	[sflag:s8] =	ssyncset.s32 @!p0 $0xFFFFF086;
	s6 =	sadd.s32 @!p0 s3, s7;
	s7 =	simm.s32 @!p0 $0x108  }
0x21: {  	s3 =	sadd.s32 s3, s9;
	s6 =	sadd.s32 @!p0 $0x88, s6;
	s7 =	simm.s32 @p2 $0x1082  }
0x22: {  	[simem:s7], [sflag:s8] =	dma.local @!p0 [hbm:s6], $0xF7A  }
0x23: {  	s9 =	sor.u32 $0xD0000000, s2;
	s6 =	simm.s32 $0x108;
	_ =	swait.ge @!p0 [sflag:s8], $0x0  }
0x24: {  	s3 =	sadd.s32 $0x88, s3;
	s6 =	simm.s32 @!p1 $0x1082;
	[sflag:s4] =	ssyncset.s32 $0xFFFFF086  }
0x25: {  	[simem:s6], [sflag:s4] =	dma.local [hbm:s3], $0xF7A  }
0x26: {  	[smem:$0x3F9F] =	sst s1;
	(tag) =	ssettag s2;
	_ =	strace s9  }
0x27: {  	s1 =	sld [smem:$0x3FAF]  }
0x28: {  	s2 =	sld [smem:$0x3FB0]  }
0x29: {  	s4 =	sld [smem:$0x3FB2]  }
0x2a: {  	p0 =	seq.s32 s5, $0x0;
	s5 =	sld [smem:$0x3FB3]  }
0x2b: {  	s6 =	sld [smem:$0x3FB4]  }
0x2c: {  	s7 =	sld [smem:$0x3FB5]  }
0x2d: {  	s3 =	simm.s32 $0x108;
	s8 =	sld [smem:$0x3FB6]  }
0x2e: {  	s3 =	simm.s32 @!p0 $0x1082;
	s9 =	sld [smem:$0x3FB7]  }
0x2f: {  	lr =	sadd.s32 s0, s3;
	s0 =	sld [smem:$0x3FAE]  }
0x30: {  	s3 =	sld [smem:$0x3FB1]  }
0x31: {  	[smem:$0x3FBA] =	sst s10  }
0x32: {  	s10 =	sld [smem:$0x3FB8];
	_ =	sdelay $0x3  }
0x33: {  	p0 =	seq.s32 s10, $0x1;
	s10 =	sld [smem:$0x3FBA];
	_ =	sdelay $0x3  }
0x34: {  	[smem:$0x3FBA] =	sst s10  }
0x35: {  	s10 =	sld [smem:$0x3FB9];
	_ =	sdelay $0x3  }
0x36: {  	p1 =	seq.s32 s10, $0x1;
	s10 =	sld [smem:$0x3FBA];
	_ =	sdelay $0x3  }
0x37: {  	[smem:$0x3FBA] =	sst s10  }
0x38: {  	s10 =	sld [smem:$0x3FBB]  }
0x39: {  	_ = 	snop;
	(pc) =	sbr.ind lr, $3  }
0x3a: {  	_ = 	snop  }
0x3b: {  	_ = 	snop  }
0x3c: {  	p2 =	seq.s32 s10, $0x1;
	s10 =	sld [smem:$0x3FBA]  }
0x3d: {  	_ =	shalt  }
0x3e: {  	_ =	shalt  }
0x3f: {  	_ =	shalt  }
0x40: {  	_ =	shalt  }
0x41: {  	_ =	shalt  }
0x42: {  	_ =	shalt  }
0x43: {  	_ =	shalt  }
0x44: {  	_ =	shalt  }
0x45: {  	_ =	shalt  }
0x46: {  	_ =	shalt  }
0x47: {  	_ =	shalt  }
0x48: {  	_ =	shalt  }
0x49: {  	_ =	shalt  }
0x4a: {  	_ =	shalt  }
0x4b: {  	_ =	shalt  }
0x4c: {  	_ =	shalt  }
0x4d: {  	_ =	shalt  }
0x4e: {  	_ =	shalt  }
0x4f: {  	_ =	shalt  }
0x50: {  	_ =	shalt  }
0x51: {  	_ =	shalt  }
0x52: {  	_ =	shalt  }
0x53: {  	_ =	shalt  }
0x54: {  	_ =	shalt  }
0x55: {  	_ =	shalt  }
0x56: {  	_ =	shalt  }
0x57: {  	_ =	shalt  }
0x58: {  	_ =	shalt  }
0x59: {  	_ =	shalt  }
0x5a: {  	_ =	shalt  }
0x5b: {  	_ =	shalt  }
0x5c: {  	_ =	shalt  }
0x5d: {  	_ =	shalt  }
0x5e: {  	_ =	shalt  }
0x5f: {  	_ =	shalt  }
0x60: {  	_ =	shalt  }
0x61: {  	_ =	shalt  }
0x62: {  	_ =	shalt  }
0x63: {  	_ =	shalt  }
0x64: {  	_ =	shalt  }
0x65: {  	_ =	shalt  }
0x66: {  	_ =	shalt  }
0x67: {  	_ =	shalt  }
0x68: {  	_ =	shalt  }
0x69: {  	_ =	shalt  }
0x6a: {  	_ =	shalt  }
0x6b: {  	_ =	shalt  }
0x6c: {  	_ =	shalt  }
0x6d: {  	_ =	shalt  }
0x6e: {  	_ =	shalt  }
0x6f: {  	_ =	shalt  }
0x70: {  	_ =	shalt  }
0x71: {  	_ =	shalt  }
0x72: {  	_ =	shalt  }
0x73: {  	_ =	shalt  }
0x74: {  	_ =	shalt  }
0x75: {  	_ =	shalt  }
0x76: {  	_ =	shalt  }
0x77: {  	_ =	shalt  }
0x78: {  	_ =	shalt  }
0x79: {  	_ =	shalt  }
0x7a: {  	_ =	shalt  }
0x7b: {  	_ =	shalt  }
0x7c: {  	_ =	shalt  }
0x7d: {  	_ =	shalt  }
0x7e: {  	_ =	shalt  }
0x7f: {  	_ =	shalt  }
0x80: {  	_ =	shalt  }
0x81: {  	_ =	shalt  }
0x82: {  	_ =	shalt  }
0x83: {  	_ =	shalt  }
0x84: {  	_ =	shalt  }
0x85: {  	_ =	shalt  }
0x86: {  	_ =	shalt  }
0x87: {  	_ =	shalt  }
.Lfunc_end0:
.L_simem_size_0:
called_computation_lowered:
.L_overlay_start_0:
0x88: {  	s2 =	sld [smem:$0x3FD9]  }
0x89: {  	s3 =	sld [smem:$0x3FFE];
	_ =	sdelay $0x1  }
0x8a: {  	s1 =	srdreg.scid  }
0x8b: {  	s0 =	sand.u32 $0x1, s1  }
0x8c: {  	s17 =	sshll.u32 s0, $0xA;
	s2 =	sadd.s32 s3, s2  }
0x8d: {  	s2 =	sadd.s32 s2, s17  }
0x8e: {  	[smem:$0x3FC6] =	sst s2  }
0x8f: {  	_ = 	snop  }
0x90: {  	s2 =	sld [smem:$0x3FC9]  }
0x91: {  	s18 =	sld [smem:$0x3FD0];
	(tm) =	ssettm $0x1  }
0x92: {  	s4 =	sld [smem:$0x3FFB];
	_ =	sdelay $0x3  }
0x93: {  	_ =	strace s4  }
0x94: {  	s4 =	sld [smem:$0x3FFC];
	_ =	sdelay $0x3  }
0x95: {  	_ =	strace s4  }
0x96: {  	s4 =	sld [smem:$0x3FFD];
	_ =	sdelay $0x3  }
0x97: {  	_ =	strace s4  }
0x98: {  	_ =	strace $0x8FFFFFFF  }
0x99: {  	s19 =	sld [smem:$0x3FDB];
	_ =	sdelay $0x1  }
0x9a: {  	s5 =	simm.s32 $_scs_section_size  }
0x9b: {  	s6 =	simm.s32 $_size__tile_overlayer_lowered;
	s7 =	simm.s32 $_tile_overlayer_lowered  }
0x9c: {  	s22 =	simm.s32 $0x1BFF;
	s21 =	sshll.u32 s7, $0x1;
	s4 =	sadd.s32 s5, s19  }
0x9d: {  	s8 =	simm.s32 $0x0;
	s20 =	sshll.u32 s6, $0x1;
	s6 =	sadd.s32 s21, s4  }
0x9e: {  	[timem:s8], [sflag:s22] =	dma.local [hbm:s6], s20  }
0x9f: {  	_ =	swait.ge [sflag:s22], s20  }
0xa0: {  	s5 =	ssub.s32 $0x0, s20;
	[sflag:s22] =	ssyncset.done $0x0  }
0xa1: {  	[sflag:s22] =	ssyncadd.s32 s5;
	_ =	sdelay $0x1  }
0xa2: {  	s23 =	simm.s32 $0x1B8B  }
0xa3: {  	_ =	swait.ge [sflag:s23], $0x1  }
0xa4: {  	[sflag:s23] =	ssyncset.done $0x0  }
0xa5: {  	s25 =	simm.s32 $0x1B8E;
	s24 =	sld [smem:$0x3FFE];
	[sflag:s23] =	ssyncadd.s32 $0xFFFFFFFF  }
0xa6: {  	s26 =	simm.s32 $execute0_lowered;
	[smem:$0x3FD2] =	sst s25  }
0xa7: {  	s6 =	sshll.u32 s26, $0x1;
	_ =	strace $0x80000046;
	[dreg:$0x1] =	wrdreg $0xFFFFFFFF  }
0xa8: {  	s28 =	simm.s32 $_size_execute0_lowered;
	s4 =	sadd.s32 s4, s6;
	[dreg:$0x0] =	wrdreg $0x0  }
0xa9: {  	s6 =	sshll.u32 s28, $0x1;
	[dreg:$0x2] =	wrdreg s4  }
0xaa: {  	[dreg:$0x3] =	wrdreg s6  }
0xab: {  	[dreg:$0x4] =	wrdreg $0xC0  }
0xac: {  	_ =	task [dreg:s8], $0x5FFFF  }
0xad: {  	[dreg:$0x1] =	wrdreg $0xFFFFFFFF  }
0xae: {  	[dreg:$0x0] =	wrdreg $0x60  }
0xaf: {  	[dreg:$0x2] =	wrdreg s24  }
0xb0: {  	[dreg:$0x3] =	wrdreg s2  }
0xb1: {  	[dreg:$0x4] =	wrdreg s18  }
0xb2: {  	[dreg:$0x5] =	wrdreg $0x9  }
0xb3: {  	_ =	task.clear_ibuf [dreg:s8], $0x6FFFF;
	_ =	strace $0x90000046  }
0xb4: {  	s29 =	simm.s32 $0x9;
	_ =	strace $0x80000048  }
0xb5: {  	_ =	swait.ge [sflag:s29], $0x1  }
0xb6: {  	[sflag:s29] =	ssyncadd.s32 $0xFFFFFFFF  }
0xb7: {  	_ =	strace $0x90000048  }
0xb8: {  	_ =	sfence  }
0xb9: {  	s30 =	sld [smem:$0x0];
	_ =	sdelay $0x2  }
0xba: {  	s31 =	sshll.u32 s1, $0xD;
	s1 =	sshrl.u32 s1, $0x2  }
0xbb: {  	s3 =	sand.u32 $0x4000, s31;
	s1 =	sadd.s32 s1, s30  }
0xbc: {  	s0 =	sor.u32 s3, s0;
	s1 =	sshll.u32 s1, $0x11  }
0xbd: {  	s0 =	sor.u32 s1, s0  }
0xbe: {  	s0 =	sadd.s32 $0x8F2B, s0  }
0xbf: {  	[sflag:s0] =	ssyncadd.remote.s32 $0x1  }
0xc0: {  	_ =	sfence.sel $0xFFFF  }
0xc1: {  	[dreg:$0x0] =	wrdreg $0xFFFFFFFF;
	(pc) =	sbr.abs _section_cstart, $3  }
0xc2: {  	[dreg:$0x1] =	wrdreg $0xFFFFFFFF  }
0xc3: {  	_ =	task.clear_ibuf [dreg:s8], $0x2FFFF;
	_ =	strace $0x9FFFFFFF  }
0xc4: {  	(tm) =	ssettm $0x7FFFFFFF  }
0xc5: {  	_ =	shalt  }
tec
execute0_lowered:
.L_overlay_start_1:
0x0: {  	(tag) =	ssettag $0x1  }
0x1: {  	s0 =	rddreg [dreg:$0x0]  }
0x2: {  	s7 =	rddreg [dreg:$0x1]  }
0x3: {  	s2 =	rddreg [dreg:$0x2];
	s4 =	srdreg.scid  }
0x4: {  	s3 =	simm.s32 $0x0;
	s1 =	stileid.u32;
	s11 =	simm.s32 $0x400  }
0x5: {  	s12 =	simm.s32 $0x8000;
	s13 =	simm.s32 $0x80;
	s14 =	simm.s32 $0xC800  }
0x6: {  	s15 =	simm.s32 $0x10800;
	s16 =	simm.s32 $0x1;
	s17 =	simm.s32 $0x14800  }
0x7: {  	s18 =	simm.s32 $0x2;
	s19 =	simm.s32 $0x4;
	s20 =	simm.s32 $0x16800  }
0x8: {  	v0 =	vlaneseq.u32;
	s21 =	simm.s32 $0x3;
	s22 =	simm.s32 $0x0;
	s4 =	sand.u32 $0x1, s4  }
0x9: {  	[smem:$0x7FF] =	sst s3;
	s5 =	sshll.u32 s1, $0xB;
	v0 =	vmul.u32 $0x80, v0;
	s6 =	sshll.u32 s4, $0xA  }
0xa: {  	_ =	strace $0x80000047;
	s8 =	ssub.s32 $0x2, s4;
	s4 =	sor.u32 s6, s5  }
0xb: {  	s5 =	sadd.s32 $0xF42A00, s0;
	s9 =	sshrl.u32 s8, $0x1;
	s6 =	sadd.s32 $0x600, s0;
	v1 =	vor.u32 $0x800, v0  }
0xc: {  	v2 =	vor.u32 $0x1000, v0;
	v3 =	vor.u32 $0x1800, v0;
	v4 =	vor.u32 $0x2000, v0;
	s10 =	sshrl.u32 s4, $0x3;
	s31 =	ssub.s32 s8, s9;
	s9 =	simm.s32 $0x18800  }
0xd: {  	v5 =	vor.u32 $0x2800, v0;
	v6 =	vor.u32 $0x3000, v0;
	v7 =	vor.u32 $0x3800, v0;
	s7 =	sadd.s32 s7, s10;
	s8 =	smax.u32 s31, $0x1;
	s10 =	simm.s32 $0x5  }
.LBB2_1:
0xe: {  	[tilespmem:s9], [sflag:$0x5] =	stream.linear.gather [hbm4b:s6+s3], $0x3200, $0x38;
	[tilespmem:$0x1DA00] =	vst v63  }
0xf: {  	_ =	swait.ge [sflag:s10], $0x3200  }
0x10: {  	[sflag:s10] =	ssyncset.done $0x0  }
0x11: {  	[sflag:s10] =	ssyncadd.s32 $0xFFFFCE00  }
0x12: {  	[tilespmem:s3], [sflag:$0x5] =	stream.strided.gather [hbm4b:s7+s11], $0x6400, s12, s11, $0x38;
	[tilespmem:$0x1DA00] =	vst v63  }
0x13: {  	_ =	swait.ge [sflag:s10], $0x6400  }
0x14: {  	[sflag:s10] =	ssyncset.done $0x0  }
0x15: {  	s0 =	simm.s32 $0x0;
	[sflag:s10] =	ssyncadd.s32 $0xFFFF9C00  }
0x16: {  	v9 =	vld [tilespmem:s0+$0x0]  }
0x17: {  	v12 =	vld [tilespmem:s0+$0x10]  }
0x18: {  	v11 =	vld [tilespmem:s0+$0x20]  }
0x19: {  	v10 =	vld [tilespmem:s0+$0x30]  }
0x1a: {  	v8 =	vld [tilespmem:s0+$0x40]  }
0x1b: {  	s23 =	simm.s32 $0x200;
	v14 =	vshrl.u32 v9, $0x1;
	v13 =	vshll.u32 v9, $0x6;
	v9 =	vld [tilespmem:s0+$0x50]  }
.LBB2_2:
0x1c: {  	p0 =	sne.s32 s23, $0x18E00;
	[tilespmem:s0+$0x0] =	vst v14;
	v13 =	vand.u32 $0x40, v13;
	v14 =	vshrl.u32 v12, $0x1;
	v12 =	vshll.u32 v12, $0x6;
	v15 =	vld [tilespmem:s0+$0x60]  }
0x1d: {  	[tilespmem:s0+$0x10] =	vst v14;
	v12 =	vand.u32 $0x40, v12;
	v14 =	vshrl.u32 v11, $0x1;
	v11 =	vshll.u32 v11, $0x6;
	v16 =	vld [tilespmem:s0+$0x70]  }
0x1e: {  	[tilespmem:s0+$0x20] =	vst v14;
	v11 =	vand.u32 $0x40, v11;
	v14 =	vshrl.u32 v10, $0x1;
	v10 =	vshll.u32 v10, $0x6  }
0x1f: {  	[tilespmem:s0+$0x30] =	vst v14;
	v10 =	vand.u32 $0x40, v10;
	v14 =	vshrl.u32 v8, $0x1;
	v8 =	vshll.u32 v8, $0x6  }
0x20: {  	[tilespmem:s0+$0x40] =	vst v14;
	v8 =	vand.u32 $0x40, v8;
	v14 =	vshrl.u32 v9, $0x1;
	v9 =	vshll.u32 v9, $0x6  }
0x21: {  	[tilespmem:s0+$0x50] =	vst v14;
	v9 =	vand.u32 $0x40, v9;
	v14 =	vshrl.u32 v15, $0x1;
	v15 =	vshll.u32 v15, $0x6  }
0x22: {  	[tilespmem:s0+$0x60] =	vst v14;
	v14 =	vand.u32 $0x40, v15;
	v15 =	vshrl.u32 v16, $0x1;
	v16 =	vshll.u32 v16, $0x6  }
0x23: {  	[tilespmem:s0+$0x70] =	vst v15;
	v15 =	vand.u32 $0x40, v16  }
0x24: {  	[tilespmem:s0+$0x6400] =	vst v13  }
0x25: {  	s24 =	sshra.s32 s23, $0x2;
	[tilespmem:s0+$0x6410] =	vst v12  }
0x26: {  	v13 =	vld [tilespmem:s24+$0x0];
	[tilespmem:s0+$0x6420] =	vst v11  }
.Ltmp0:
0x27: {  	v12 =	vld [tilespmem:s24+$0x10];
	[tilespmem:s0+$0x6430] =	vst v10;
	(pc) =	sbr.rel @p0 .LBB2_2-.Ltmp0, $4  }
0x28: {  	v11 =	vld [tilespmem:s24+$0x20];
	[tilespmem:s0+$0x6440] =	vst v8  }
0x29: {  	v10 =	vld [tilespmem:s24+$0x30];
	[tilespmem:s0+$0x6450] =	vst v9  }
0x2a: {  	v8 =	vld [tilespmem:s24+$0x40];
	[tilespmem:s0+$0x6460] =	vst v14  }
0x2b: {  	s23 =	sadd.s32 $0x200, s23;
	v14 =	vshrl.u32 v13, $0x1;
	v13 =	vshll.u32 v13, $0x6;
	v9 =	vld [tilespmem:s24+$0x50];
	[tilespmem:s0+$0x6470] =	vst v15;
	s0 =	smov.u32 s24  }
0x2c: {  	[tilespmem:s0+$0x0] =	vst v14;
	v50 =	vshrl.u32 v12, $0x1  }
0x2d: {  	v13 =	vand.u32 $0x40, v13;
	[tilespmem:s0+$0x10] =	vst v50  }
0x2e: {  	v57 =	vshll.u32 v12, $0x6;
	v51 =	vshrl.u32 v11, $0x1;
	[tilespmem:s0+$0x6400] =	vst v13  }
0x2f: {  	v12 =	vand.u32 $0x40, v57;
	[tilespmem:s0+$0x20] =	vst v51  }
0x30: {  	v58 =	vshll.u32 v11, $0x6;
	v52 =	vshrl.u32 v10, $0x1;
	[tilespmem:s0+$0x6410] =	vst v12  }
0x31: {  	v15 =	vld [tilespmem:s0+$0x60];
	v11 =	vand.u32 $0x40, v58;
	[tilespmem:s0+$0x30] =	vst v52  }
0x32: {  	v16 =	vld [tilespmem:s0+$0x70];
	v59 =	vshll.u32 v10, $0x6;
	v53 =	vshrl.u32 v8, $0x1;
	[tilespmem:s0+$0x6420] =	vst v11  }
0x33: {  	v10 =	vand.u32 $0x40, v59;
	[tilespmem:s0+$0x40] =	vst v53  }
0x34: {  	v8 =	vshll.u32 v8, $0x6;
	v54 =	vshrl.u32 v9, $0x1;
	[tilespmem:s0+$0x6430] =	vst v10  }
0x35: {  	v8 =	vand.u32 $0x40, v8;
	[tilespmem:s0+$0x50] =	vst v54  }
0x36: {  	v55 =	vshrl.u32 v15, $0x1;
	[tilespmem:s0+$0x6440] =	vst v8  }
0x37: {  	v60 =	vshll.u32 v9, $0x6;
	v56 =	vshrl.u32 v16, $0x1;
	[tilespmem:s0+$0x60] =	vst v55  }
0x38: {  	v9 =	vand.u32 $0x40, v60;
	v61 =	vshll.u32 v15, $0x6;
	[tilespmem:s0+$0x70] =	vst v56  }
0x39: {  	v62 =	vshll.u32 v16, $0x6;
	v8 =	vand.u32 $0x40, v61;
	[tilespmem:s0+$0x6450] =	vst v9  }
0x3a: {  	v63 =	vand.u32 $0x40, v62;
	[tilespmem:s0+$0x6460] =	vst v8  }
0x3b: {  	s23 =	simm.s32 $0x0;
	[tilespmem:s0+$0x6470] =	vst v63  }
0x3c: {  	[tilespmem:s14], [sflag:$0x1] =	stream.indirect.gather [hbm4b:s5+s13], $0x80, s23, s13, $0xb8;
	[tilespmem:$0x1DA00] =	vst v63  }
.LBB2_4:
0x3d: {  	s0 =	sshll.u32 s23, $0x7  }
0x3e: {  	s24 =	sshllo.u32 s23, $0x1;
	s26 =	sadd.s32 $0x0, s0  }
0x3f: {  	s25 =	sshll.u32 s24, $0x7;
	v8 =	vmov s26  }
0x40: {  	[tilespmem:s15], [sflag:$0x2] =	stream.indirect.gather [hbm4b:s5+s13], $0x80, s25, s13, $0xb8;
	v8 =	vand.u32 $0xFFFFFFFC, v8;
	[tilespmem:$0x1DA00] =	vst v63  }
0x41: {  	s28 =	sadd.s32 $0x1, s26;
	_ =	swait.ge [sflag:s16], $0x4000;
	v8 =	vbroadcast v8, $0x0  }
0x42: {  	p0 =	seq.s32 s23, $0x0;
	s29 =	sadd.s32 $0x2, s26;
	v9 =	vmov s28;
	[sflag:s16] =	ssyncset.done $0x0  }
0x43: {  	s26 =	sadd.s32 $0x3, s26;
	s28 =	simm.s32 @!p0 $0x3;
	v10 =	vmov s29;
	v9 =	vand.u32 $0xFFFFFFFD, v9;
	[sflag:s16] =	ssyncadd.s32 $0xFFFFC000  }
0x44: {  	v11 =	vmov s26;
	v10 =	vand.u32 $0xFFFFFFFE, v10;
	v9 =	vbroadcast v9, $0x0;
	_ =	swait.ge @!p0 [sflag:s28], $0x2000  }
0x45: {  	v10 =	vbroadcast v10, $0x0;
	[sflag:s28] =	ssyncset.done @!p0 $0x0  }
0x46: {  	[sflag:s28] =	ssyncadd.s32 @!p0 $0xFFFFE000  }
0x47: {  	v15 =	vld.idx.msk [tilespmem:v8+s9+$0x0], $0xffff  }
0x48: {  	s28 =	sadd.s32 $0x4, s0  }
0x49: {  	s31 =	sadd.s32 $0x1, s28;
	s29 =	sadd.s32 $0x2, s28;
	v8 =	vld.idx.msk [tilespmem:v11+s9+$0x0], $0xffff;
	v11 =	vmov s28  }
0x4a: {  	v13 =	vmov s31;
	v14 =	vmov s29;
	v9 =	vld.idx.msk [tilespmem:v9+s9+$0x0], $0xffff;
	v12 =	vand.u32 $0xFFFFFFFC, v11  }
0x4b: {  	s26 =	simm.s32 $0x1BB00;
	s28 =	sadd.s32 $0x3, s28;
	v11 =	vld.idx.msk [tilespmem:v10+s9+$0x0], $0xffff;
	v10 =	vand.u32 $0xFFFFFFFD, v13;
	v14 =	vand.u32 $0xFFFFFFFE, v14;
	v12 =	vbroadcast v12, $0x0  }
0x4c: {  	s29 =	simm.s32 $0x8;
	v13 =	vbroadcast v10, $0x0;
	v10 =	vbroadcast v14, $0x0;
	v14 =	vmov s28;
	s28 =	simm.s32 $0x1BB00;
	[tilespmem:s26+$0xFFFFFF00] =	vst v15  }
.LBB2_5:
0x4d: {  	p1 =	sne.s32 s29, $0x3C  }
0x4e: {  	[tilespmem:s26+$0x80] =	vst v8;
	s28 =	sadd.s32 $0x200, s28;
	s30 =	smov.u32 s29;
	s29 =	sadd.s32 $0x4, s29  }
0x4f: {  	[tilespmem:s26+$0xFFFFFF80] =	vst v9  }
0x50: {  	[tilespmem:s26+$0x0] =	vst v11;
	s26 =	smov.u32 s28;
	_ =	sdelay $0x1  }
0x51: {  	v15 =	vld.idx.msk [tilespmem:v12+s9+$0x0], $0xffff  }
0x52: {  	v8 =	vld.idx.msk [tilespmem:v14+s9+$0x0], $0xffff  }
.Ltmp1:
0x53: {  	s30 =	sadd.s32 s0, s30;
	v9 =	vld.idx.msk [tilespmem:v13+s9+$0x0], $0xffff;
	(pc) =	sbr.rel @p1 .LBB2_5-.Ltmp1, $4  }
0x54: {  	s31 =	sadd.s32 $0x1, s30;
	s1 =	sadd.s32 $0x2, s30;
	v12 =	vmov s30;
	s30 =	sadd.s32 $0x3, s30;
	v11 =	vld.idx.msk [tilespmem:v10+s9+$0x0], $0xffff  }
0x55: {  	v14 =	vmov s1;
	v13 =	vmov s31;
	v10 =	vand.u32 $0xFFFFFFFC, v12  }
0x56: {  	v14 =	vand.u32 $0xFFFFFFFE, v14;
	v12 =	vbroadcast v10, $0x0;
	v10 =	vand.u32 $0xFFFFFFFD, v13  }
0x57: {  	v13 =	vbroadcast v10, $0x0;
	v10 =	vbroadcast v14, $0x0;
	v14 =	vmov s30;
	[tilespmem:s28+$0xFFFFFF00] =	vst v15  }
0x58: {  	_ = 	snop  }
0x59: {  	[tilespmem:s26+$0x80] =	vst v8  }
0x5a: {  	[tilespmem:s26+$0xFFFFFF80] =	vst v9  }
0x5b: {  	[tilespmem:s26+$0x0] =	vst v11  }
0x5c: {  	v8 =	vld.idx.msk [tilespmem:v12+s9+$0x0], $0xffff  }
0x5d: {  	v9 =	vld.idx.msk [tilespmem:v14+s9+$0x0], $0xffff  }
0x5e: {  	v11 =	vld.idx.msk [tilespmem:v13+s9+$0x0], $0xffff  }
0x5f: {  	v10 =	vld.idx.msk [tilespmem:v10+s9+$0x0], $0xffff  }
0x60: {  	s0 =	sadd.s32 $0x200, s28  }
0x61: {  	[tilespmem:s0+$0xFFFFFF00] =	vst v8  }
0x62: {  	[tilespmem:s0+$0x80] =	vst v9  }
0x63: {  	s1 =	sshll.u32 s23, $0xA;
	[tilespmem:s0+$0xFFFFFF80] =	vst v11  }
0x64: {  	s26 =	sshrl.u32 s1, $0x2;
	[tilespmem:s0+$0x0] =	vst v10  }
0x65: {  	v14 =	vld [tilespmem:s26+$0x6450]  }
0x66: {  	v12 =	vld [tilespmem:s26+$0x6400]  }
0x67: {  	v10 =	vld [tilespmem:s26+$0x6410]  }
0x68: {  	v8 =	vld [tilespmem:s26+$0x6420]  }
0x69: {  	s0 =	simm.s32 $0x1;
	v9 =	vld [tilespmem:s26+$0x6430]  }
0x6a: {  	s1 =	simm.s32 $0x0;
	v15 =	vld [tilespmem:s26+$0x6470];
	v11 =	vadd.s32 s0, v14  }
0x6b: {  	s28 =	simm.s32 $0x1BA80;
	v13 =	vadd.s32 s1, v12;
	v16 =	vadd.s32 v5, v11  }
0x6c: {  	v21 =	vld [tilespmem:s28+$0xFFFFFF80];
	v18 =	vadd.s32 s1, v10;
	v17 =	vadd.s32 v0, v13  }
0x6d: {  	v24 =	vld [tilespmem:s28+$0x0];
	v19 =	vadd.s32 s1, v8;
	v18 =	vadd.s32 v1, v18  }
0x6e: {  	v20 =	vadd.s32 s1, v9;
	v11 =	vld [tilespmem:s26+$0x6440];
	v19 =	vadd.s32 v2, v19  }
0x6f: {  	v22 =	vadd.s32 s0, v15;
	v13 =	vld [tilespmem:s26+$0x6460];
	v20 =	vadd.s32 v3, v20  }
0x70: {  	v25 =	vadd.s32 s1, v14;
	v22 =	vadd.s32 v7, v22;
	v16 =	vld.idx.msk [tilespmem:v16+s14+$0x0], $0xffff  }
0x71: {  	v27 =	vadd.s32 s1, v15;
	v25 =	vadd.s32 v5, v25;
	v17 =	vld.idx.msk [tilespmem:v17+s14+$0x0], $0xffff  }
0x72: {  	v28 =	vadd.s32 s0, v12;
	v27 =	vadd.s32 v7, v27;
	v18 =	vld.idx.msk [tilespmem:v18+s14+$0x0], $0xffff  }
0x73: {  	v29 =	vadd.s32 s0, v10;
	v28 =	vadd.s32 v0, v28;
	v19 =	vld.idx.msk [tilespmem:v19+s14+$0x0], $0xffff  }
0x74: {  	v30 =	vadd.s32 s0, v8;
	v29 =	vadd.s32 v1, v29;
	v20 =	vld.idx.msk [tilespmem:v20+s14+$0x0], $0xffff  }
0x75: {  	v31 =	vadd.s32 s0, v9;
	v30 =	vadd.s32 v2, v30;
	v22 =	vld.idx.msk [tilespmem:v22+s14+$0x0], $0xffff  }
0x76: {  	v31 =	vadd.s32 v3, v31;
	v23 =	vadd.s32 s1, v11;
	v25 =	vld.idx.msk [tilespmem:v25+s14+$0x0], $0xffff  }
0x77: {  	v26 =	vadd.s32 s1, v13;
	v27 =	vld.idx.msk [tilespmem:v27+s14+$0x0], $0xffff;
	v23 =	vadd.s32 v4, v23  }
0x78: {  	v32 =	vadd.s32 s0, v11;
	v28 =	vld.idx.msk [tilespmem:v28+s14+$0x0], $0xffff;
	v26 =	vadd.s32 v6, v26  }
0x79: {  	v33 =	vadd.s32 s0, v13;
	v29 =	vld.idx.msk [tilespmem:v29+s14+$0x0], $0xffff;
	v32 =	vadd.s32 v4, v32  }
0x7a: {  	v30 =	vld.idx.msk [tilespmem:v30+s14+$0x0], $0xffff;
	v33 =	vadd.s32 v6, v33  }
0x7b: {  	v31 =	vld.idx.msk [tilespmem:v31+s14+$0x0], $0xffff;
	v22 =	vmul.f32 $8.000000000e+00, v22  }
0x7c: {  	v16 =	vmul.f32 $8.000000000e+00, v16;
	v23 =	vld.idx.msk [tilespmem:v23+s14+$0x0], $0xffff  }
0x7d: {  	v17 =	vmul.f32 $8.000000000e+00, v17;
	v26 =	vld.idx.msk [tilespmem:v26+s14+$0x0], $0xffff;
	v22 =	vadd.f32 v24, v22  }
0x7e: {  	s28 =	simm.s32 $0x14880;
	v18 =	vmul.f32 $8.000000000e+00, v18;
	v32 =	vld.idx.msk [tilespmem:v32+s14+$0x0], $0xffff;
	v16 =	vadd.f32 v24, v16  }
0x7f: {  	v19 =	vmul.f32 $8.000000000e+00, v19;
	v33 =	vld.idx.msk [tilespmem:v33+s14+$0x0], $0xffff;
	v17 =	vadd.f32 v21, v17;
	[tilespmem:s28+$0x70] =	vst v22  }
0x80: {  	v18 =	vadd.f32 v21, v18;
	v22 =	vmul.f32 $8.000000000e+00, v28;
	[tilespmem:s28+$0x50] =	vst v16  }
0x81: {  	v16 =	vadd.f32 v21, v19;
	[tilespmem:s28+$0xFFFFFF80] =	vst v17;
	v17 =	vmul.f32 $8.000000000e+00, v29  }
0x82: {  	[tilespmem:s28+$0xFFFFFF90] =	vst v18;
	v19 =	vmul.f32 $8.000000000e+00, v30;
	v18 =	vadd.f32 v24, v22  }
0x83: {  	[tilespmem:s28+$0xFFFFFFA0] =	vst v16;
	v16 =	vadd.f32 v24, v17;
	v17 =	vmul.f32 $8.000000000e+00, v31  }
0x84: {  	[tilespmem:s28+$0x0] =	vst v18;
	v18 =	vadd.f32 v24, v19;
	v19 =	vmul.f32 $8.000000000e+00, v32  }
0x85: {  	[tilespmem:s28+$0x10] =	vst v16;
	v16 =	vadd.f32 v24, v17;
	v17 =	vmul.f32 $8.000000000e+00, v33  }
0x86: {  	v20 =	vmul.f32 $8.000000000e+00, v20;
	[tilespmem:s28+$0x20] =	vst v18;
	v18 =	vadd.f32 v24, v19  }
0x87: {  	v19 =	vmul.f32 $8.000000000e+00, v23;
	[tilespmem:s28+$0x30] =	vst v16;
	v16 =	vadd.f32 v24, v17  }
0x88: {  	s0 =	simm.s32 $0x3;
	v17 =	vadd.f32 v21, v20;
	v20 =	vmul.f32 $8.000000000e+00, v25;
	[tilespmem:s28+$0x40] =	vst v18  }
0x89: {  	v22 =	vadd.s32 s0, v14;
	v18 =	vadd.f32 v21, v19;
	v19 =	vmul.f32 $8.000000000e+00, v26;
	[tilespmem:s28+$0x60] =	vst v16  }
0x8a: {  	v22 =	vadd.s32 v5, v22;
	v16 =	vadd.f32 v21, v20;
	v20 =	vmul.f32 $8.000000000e+00, v27;
	[tilespmem:s28+$0xFFFFFFB0] =	vst v17  }
0x8b: {  	v17 =	vadd.f32 v21, v19;
	[tilespmem:s28+$0xFFFFFFC0] =	vst v18  }
0x8c: {  	s29 =	simm.s32 $0x2;
	v18 =	vadd.f32 v21, v20;
	[tilespmem:s28+$0xFFFFFFD0] =	vst v16  }
0x8d: {  	v16 =	vadd.s32 s29, v12;
	[tilespmem:s28+$0xFFFFFFE0] =	vst v17  }
0x8e: {  	[tilespmem:s28+$0xFFFFFFF0] =	vst v18;
	v18 =	vadd.s32 v0, v16;
	v16 =	vadd.s32 s29, v10  }
0x8f: {  	s30 =	simm.s32 $0x1BB80;
	v19 =	vadd.s32 s29, v8;
	v17 =	vld.idx.msk [tilespmem:v22+s14+$0x0], $0xffff;
	v20 =	vadd.s32 v1, v16  }
0x90: {  	s31 =	simm.s32 $0x4;
	v21 =	vadd.s32 s29, v9;
	v19 =	vadd.s32 v2, v19;
	v16 =	vld [tilespmem:s30+$0xFFFFFF80]  }
.LBB2_7:
0x91: {  	p1 =	sne.s32 s31, $0x3E;
	v21 =	vadd.s32 v3, v21;
	v22 =	vadd.s32 s0, v15  }
0x92: {  	v23 =	vadd.s32 s29, v11;
	v22 =	vadd.s32 v7, v22;
	v24 =	vld [tilespmem:s30+$0x0]  }
0x93: {  	v25 =	vadd.s32 s29, v14;
	v23 =	vadd.s32 v4, v23;
	v18 =	vld.idx.msk [tilespmem:v18+s14+$0x0], $0xffff  }
0x94: {  	v26 =	vadd.s32 s29, v13;
	v25 =	vadd.s32 v5, v25;
	v20 =	vld.idx.msk [tilespmem:v20+s14+$0x0], $0xffff  }
0x95: {  	v27 =	vadd.s32 s29, v15;
	s29 =	smov.u32 s31;
	v26 =	vadd.s32 v6, v26;
	v17 =	vmul.f32 $8.000000000e+00, v17;
	v19 =	vld.idx.msk [tilespmem:v19+s14+$0x0], $0xffff  }
0x96: {  	v28 =	vadd.s32 s0, v12;
	v27 =	vadd.s32 v7, v27;
	v21 =	vld.idx.msk [tilespmem:v21+s14+$0x0], $0xffff  }
0x97: {  	v29 =	vadd.s32 s0, v10;
	v28 =	vadd.s32 v0, v28;
	v22 =	vld.idx.msk [tilespmem:v22+s14+$0x0], $0xffff;
	v17 =	vadd.f32 v24, v17  }
0x98: {  	v30 =	vadd.s32 s0, v8;
	v31 =	vadd.s32 s0, v9;
	v29 =	vadd.s32 v1, v29;
	v23 =	vld.idx.msk [tilespmem:v23+s14+$0x0], $0xffff  }
0x99: {  	v32 =	vadd.s32 s0, v11;
	v30 =	vadd.s32 v2, v30;
	v18 =	vmul.f32 $8.000000000e+00, v18;
	v25 =	vld.idx.msk [tilespmem:v25+s14+$0x0], $0xffff  }
0x9a: {  	v33 =	vadd.s32 s0, v13;
	v31 =	vadd.s32 v3, v31;
	v20 =	vmul.f32 $8.000000000e+00, v20;
	v26 =	vld.idx.msk [tilespmem:v26+s14+$0x0], $0xffff  }
0x9b: {  	v32 =	vadd.s32 v4, v32;
	v18 =	vadd.f32 v16, v18;
	v19 =	vmul.f32 $8.000000000e+00, v19;
	v27 =	vld.idx.msk [tilespmem:v27+s14+$0x0], $0xffff  }
0x9c: {  	v33 =	vadd.s32 v6, v33;
	v20 =	vadd.f32 v16, v20;
	v21 =	vmul.f32 $8.000000000e+00, v21;
	v28 =	vld.idx.msk [tilespmem:v28+s14+$0x0], $0xffff  }
0x9d: {  	v19 =	vadd.f32 v16, v19;
	v22 =	vmul.f32 $8.000000000e+00, v22;
	v29 =	vld.idx.msk [tilespmem:v29+s14+$0x0], $0xffff  }
0x9e: {  	v21 =	vadd.f32 v16, v21;
	v23 =	vmul.f32 $8.000000000e+00, v23;
	v30 =	vld.idx.msk [tilespmem:v30+s14+$0x0], $0xffff  }
0x9f: {  	v25 =	vmul.f32 $8.000000000e+00, v25;
	v22 =	vadd.f32 v24, v22;
	v31 =	vld.idx.msk [tilespmem:v31+s14+$0x0], $0xffff  }
0xa0: {  	s28 =	sadd.s32 $0x100, s28;
	v23 =	vadd.f32 v16, v23;
	v26 =	vmul.f32 $8.000000000e+00, v26;
	v32 =	vld.idx.msk [tilespmem:v32+s14+$0x0], $0xffff  }
0xa1: {  	v25 =	vadd.f32 v16, v25;
	v27 =	vmul.f32 $8.000000000e+00, v27;
	v33 =	vld.idx.msk [tilespmem:v33+s14+$0x0], $0xffff;
	[tilespmem:s28+$0x70] =	vst v22  }
0xa2: {  	v22 =	vadd.f32 v16, v26;
	v26 =	vmul.f32 $8.000000000e+00, v28;
	[tilespmem:s28+$0x50] =	vst v17  }
0xa3: {  	v16 =	vadd.f32 v16, v27;
	v17 =	vmul.f32 $8.000000000e+00, v29;
	[tilespmem:s28+$0xFFFFFF80] =	vst v18  }
0xa4: {  	v18 =	vadd.f32 v24, v26;
	[tilespmem:s28+$0xFFFFFF90] =	vst v20;
	v20 =	vmul.f32 $8.000000000e+00, v30  }
0xa5: {  	v17 =	vadd.f32 v24, v17;
	[tilespmem:s28+$0xFFFFFFA0] =	vst v19;
	v19 =	vmul.f32 $8.000000000e+00, v31  }
0xa6: {  	[tilespmem:s28+$0x0] =	vst v18;
	v18 =	vadd.f32 v24, v20;
	v20 =	vmul.f32 $8.000000000e+00, v32  }
0xa7: {  	[tilespmem:s28+$0x10] =	vst v17;
	v17 =	vadd.f32 v24, v19;
	v19 =	vmul.f32 $8.000000000e+00, v33  }
0xa8: {  	[tilespmem:s28+$0x20] =	vst v18;
	v18 =	vadd.f32 v24, v20  }
0xa9: {  	[tilespmem:s28+$0x30] =	vst v17;
	v17 =	vadd.f32 v24, v19  }
0xaa: {  	s0 =	sadd.s32 $0x1, s31;
	[tilespmem:s28+$0x40] =	vst v18  }
0xab: {  	v18 =	vadd.s32 s0, v14;
	[tilespmem:s28+$0x60] =	vst v17  }
0xac: {  	v17 =	vadd.s32 v5, v18;
	[tilespmem:s28+$0xFFFFFFB0] =	vst v21  }
0xad: {  	[tilespmem:s28+$0xFFFFFFC0] =	vst v23  }
.Ltmp2:
0xae: {  	[tilespmem:s28+$0xFFFFFFD0] =	vst v25;
	(pc) =	sbr.rel @p1 .LBB2_7-.Ltmp2, $4  }
0xaf: {  	v18 =	vadd.s32 s31, v12;
	[tilespmem:s28+$0xFFFFFFE0] =	vst v22  }
0xb0: {  	v19 =	vadd.s32 s31, v10;
	v18 =	vadd.s32 v0, v18;
	[tilespmem:s28+$0xFFFFFFF0] =	vst v16  }
0xb1: {  	s30 =	sadd.s32 $0x100, s30;
	v20 =	vadd.s32 v1, v19;
	v16 =	vadd.s32 s31, v8;
	v17 =	vld.idx.msk [tilespmem:v17+s14+$0x0], $0xffff  }
0xb2: {  	v21 =	vadd.s32 s29, v9;
	s31 =	sadd.s32 $0x2, s31;
	v19 =	vadd.s32 v2, v16;
	v16 =	vld [tilespmem:s30+$0xFFFFFF80]  }
0xb3: {  	_ =	sdelay $0x1  }
0xb4: {  	v21 =	vadd.s32 v3, v21;
	v22 =	vadd.s32 s0, v15  }
0xb5: {  	v23 =	vadd.s32 s29, v11;
	v24 =	vld [tilespmem:s30+$0x0];
	v22 =	vadd.s32 v7, v22  }
0xb6: {  	v18 =	vld.idx.msk [tilespmem:v18+s14+$0x0], $0xffff;
	v14 =	vadd.s32 s29, v14;
	v23 =	vadd.s32 v4, v23  }
0xb7: {  	v20 =	vld.idx.msk [tilespmem:v20+s14+$0x0], $0xffff;
	v25 =	vadd.s32 s29, v13;
	v14 =	vadd.s32 v5, v14  }
0xb8: {  	v19 =	vld.idx.msk [tilespmem:v19+s14+$0x0], $0xffff;
	v50 =	vadd.s32 s29, v15;
	v25 =	vadd.s32 v6, v25  }
0xb9: {  	v12 =	vadd.s32 s0, v12;
	v15 =	vadd.s32 v7, v50;
	v21 =	vld.idx.msk [tilespmem:v21+s14+$0x0], $0xffff  }
0xba: {  	v10 =	vadd.s32 s0, v10;
	v12 =	vadd.s32 v0, v12;
	v22 =	vld.idx.msk [tilespmem:v22+s14+$0x0], $0xffff  }
0xbb: {  	v8 =	vadd.s32 s0, v8;
	v10 =	vadd.s32 v1, v10;
	v23 =	vld.idx.msk [tilespmem:v23+s14+$0x0], $0xffff  }
0xbc: {  	v9 =	vadd.s32 s0, v9;
	v8 =	vadd.s32 v2, v8;
	v14 =	vld.idx.msk [tilespmem:v14+s14+$0x0], $0xffff  }
0xbd: {  	v51 =	vadd.s32 s0, v11;
	v9 =	vadd.s32 v3, v9;
	v25 =	vld.idx.msk [tilespmem:v25+s14+$0x0], $0xffff  }
0xbe: {  	v52 =	vadd.s32 s0, v13;
	v11 =	vadd.s32 v4, v51;
	v15 =	vld.idx.msk [tilespmem:v15+s14+$0x0], $0xffff  }
0xbf: {  	v13 =	vadd.s32 v6, v52;
	v12 =	vld.idx.msk [tilespmem:v12+s14+$0x0], $0xffff  }
0xc0: {  	v17 =	vmul.f32 $8.000000000e+00, v17;
	v10 =	vld.idx.msk [tilespmem:v10+s14+$0x0], $0xffff  }
0xc1: {  	v18 =	vmul.f32 $8.000000000e+00, v18;
	v8 =	vld.idx.msk [tilespmem:v8+s14+$0x0], $0xffff  }
0xc2: {  	v17 =	vadd.f32 v24, v17;
	v20 =	vmul.f32 $8.000000000e+00, v20;
	v9 =	vld.idx.msk [tilespmem:v9+s14+$0x0], $0xffff  }
0xc3: {  	s30 =	sadd.s32 $0x100, s28;
	v19 =	vmul.f32 $8.000000000e+00, v19;
	v11 =	vld.idx.msk [tilespmem:v11+s14+$0x0], $0xffff;
	v18 =	vadd.f32 v16, v18  }
0xc4: {  	v13 =	vld.idx.msk [tilespmem:v13+s14+$0x0], $0xffff;
	v20 =	vadd.f32 v16, v20;
	[tilespmem:s30+$0x50] =	vst v17;
	v55 =	vmul.f32 $8.000000000e+00, v21  }
0xc5: {  	v53 =	vadd.f32 v16, v19;
	[tilespmem:s30+$0xFFFFFF80] =	vst v18;
	v22 =	vmul.f32 $8.000000000e+00, v22  }
0xc6: {  	[tilespmem:s30+$0xFFFFFF90] =	vst v20;
	v12 =	vmul.f32 $8.000000000e+00, v12;
	v58 =	vadd.f32 v16, v55  }
0xc7: {  	[tilespmem:s30+$0xFFFFFFA0] =	vst v53;
	v10 =	vmul.f32 $8.000000000e+00, v10;
	v22 =	vadd.f32 v24, v22  }
0xc8: {  	v8 =	vmul.f32 $8.000000000e+00, v8;
	v12 =	vadd.f32 v24, v12;
	[tilespmem:s30+$0xFFFFFFB0] =	vst v58  }
0xc9: {  	v9 =	vmul.f32 $8.000000000e+00, v9;
	v10 =	vadd.f32 v24, v10;
	[tilespmem:s30+$0x70] =	vst v22  }
0xca: {  	v54 =	vmul.f32 $8.000000000e+00, v13;
	v8 =	vadd.f32 v24, v8;
	[tilespmem:s30+$0x0] =	vst v12  }
0xcb: {  	v11 =	vmul.f32 $8.000000000e+00, v11;
	v9 =	vadd.f32 v24, v9;
	[tilespmem:s30+$0x10] =	vst v10  }
0xcc: {  	v59 =	vmul.f32 $8.000000000e+00, v14;
	v57 =	vadd.f32 v24, v54;
	[tilespmem:s30+$0x20] =	vst v8  }
0xcd: {  	v56 =	vmul.f32 $8.000000000e+00, v23;
	v8 =	vadd.f32 v24, v11;
	[tilespmem:s30+$0x30] =	vst v9  }
0xce: {  	v60 =	vmul.f32 $8.000000000e+00, v25;
	v61 =	vadd.f32 v16, v59;
	[tilespmem:s30+$0x60] =	vst v57  }
0xcf: {  	p1 =	sne.s32 s23, $0x63;
	v62 =	vmul.f32 $8.000000000e+00, v15;
	[tilespmem:s30+$0x40] =	vst v8;
	v8 =	vadd.f32 v16, v56  }
.Ltmp3:
0xd0: {  	s1 =	sshll.u32 s23, $0x13;
	v63 =	vadd.f32 v16, v60;
	[tilespmem:s30+$0xFFFFFFD0] =	vst v61;
	(pc) =	sbr.rel @p1 .LBB2_10-.Ltmp3, $4  }
0xd1: {  	s1 =	sor.u32 s4, s1;
	[tilespmem:s30+$0xFFFFFFC0] =	vst v8;
	v8 =	vadd.f32 v16, v62  }
0xd2: {  	s1 =	sshrl.u32 s1, $0x3;
	[tilespmem:s30+$0xFFFFFFE0] =	vst v63  }
0xd3: {  	s31 =	sadd.s32 s2, s1;
	[tilespmem:s30+$0xFFFFFFF0] =	vst v8  }
0xd4: {  	[hbm4b:s31+s11] =	stream.strided.scatter [tilespmem:s17], [sflag:$0x3], $0x2000, s12, s11, $0x38;
	[tilespmem:$0x1DA00] =	vst v63  }
.Ltmp4:
0xd5: {  	(pc) =	sbr.rel .LBB2_11-.Ltmp4, $4  }
0xd6: {  	_ = 	snop  }
0xd7: {  	_ =	swait.ge [sflag:s18], $0x4000  }
0xd8: {  	[sflag:s18] =	ssyncset.done $0x0  }
0xd9: {  	[sflag:s18] =	ssyncadd.s32 $0xFFFFC000  }
.LBB2_10:
.Ltmp5:
0xda: {  	s0 =	sadd.s32 $0x100, s26;
	(pc) =	sbr.rel @p0 .LBB2_12-.Ltmp5, $4  }
0xdb: {  	[tilespmem:s14], [sflag:$0x1] =	stream.indirect.gather [hbm4b:s5+s13], $0x80, s0, s13, $0xb8;
	[tilespmem:$0x1DA00] =	vst v63  }
0xdc: {  	_ =	swait.ge [sflag:s18], $0x4000  }
0xdd: {  	[sflag:s18] =	ssyncset.done $0x0  }
0xde: {  	[sflag:s18] =	ssyncadd.s32 $0xFFFFC000  }
.LBB2_11:
0xdf: {  	_ =	swait.ge [sflag:s19], $0x2000  }
0xe0: {  	[sflag:s19] =	ssyncset.done $0x0  }
0xe1: {  	[sflag:s19] =	ssyncadd.s32 $0xFFFFE000  }
.LBB2_12:
0xe2: {  	s0 =	sshll.u32 s24, $0x6  }
0xe3: {  	s1 =	sadd.s32 $0x0, s0  }
0xe4: {  	v8 =	vmov s1  }
0xe5: {  	v8 =	vand.u32 $0xFFFFFFFC, v8  }
0xe6: {  	s26 =	sadd.s32 $0x1, s1;
	v8 =	vbroadcast v8, $0x0  }
0xe7: {  	s28 =	sadd.s32 $0x2, s1;
	v9 =	vmov s26  }
0xe8: {  	s1 =	sadd.s32 $0x3, s1;
	v10 =	vmov s28;
	v9 =	vand.u32 $0xFFFFFFFD, v9  }
0xe9: {  	v11 =	vmov s1;
	v10 =	vand.u32 $0xFFFFFFFE, v10;
	v9 =	vbroadcast v9, $0x0  }
0xea: {  	v10 =	vbroadcast v10, $0x0;
	_ =	sdelay $0x1  }
0xeb: {  	v15 =	vld.idx.msk [tilespmem:v8+s9+$0x0], $0xffff  }
0xec: {  	s30 =	sadd.s32 $0x4, s0  }
0xed: {  	s31 =	sadd.s32 $0x1, s30;
	s28 =	sadd.s32 $0x2, s30;
	v8 =	vld.idx.msk [tilespmem:v11+s9+$0x0], $0xffff;
	v11 =	vmov s30  }
0xee: {  	v13 =	vmov s31;
	v14 =	vmov s28;
	v9 =	vld.idx.msk [tilespmem:v9+s9+$0x0], $0xffff;
	v12 =	vand.u32 $0xFFFFFFFC, v11  }
0xef: {  	s26 =	simm.s32 $0x1BB00;
	s1 =	sadd.s32 $0x3, s30;
	v14 =	vand.u32 $0xFFFFFFFE, v14;
	v11 =	vld.idx.msk [tilespmem:v10+s9+$0x0], $0xffff;
	v10 =	vand.u32 $0xFFFFFFFD, v13;
	v12 =	vbroadcast v12, $0x0  }
0xf0: {  	s29 =	simm.s32 $0x8;
	s28 =	simm.s32 $0x1BB00;
	v13 =	vbroadcast v10, $0x0;
	v10 =	vbroadcast v14, $0x0;
	v14 =	vmov s1;
	[tilespmem:s26+$0xFFFFFF00] =	vst v15  }
.LBB2_13:
0xf1: {  	p0 =	sne.s32 s29, $0x3C  }
0xf2: {  	[tilespmem:s26+$0x80] =	vst v8;
	s28 =	sadd.s32 $0x200, s28;
	s1 =	smov.u32 s29;
	s29 =	sadd.s32 $0x4, s29  }
0xf3: {  	[tilespmem:s26+$0xFFFFFF80] =	vst v9  }
0xf4: {  	[tilespmem:s26+$0x0] =	vst v11;
	s26 =	smov.u32 s28;
	_ =	sdelay $0x1  }
0xf5: {  	v15 =	vld.idx.msk [tilespmem:v12+s9+$0x0], $0xffff  }
0xf6: {  	v8 =	vld.idx.msk [tilespmem:v14+s9+$0x0], $0xffff  }
.Ltmp6:
0xf7: {  	s1 =	sadd.s32 s0, s1;
	v9 =	vld.idx.msk [tilespmem:v13+s9+$0x0], $0xffff;
	(pc) =	sbr.rel @p0 .LBB2_13-.Ltmp6, $4  }
0xf8: {  	s30 =	sadd.s32 $0x1, s1;
	s31 =	sadd.s32 $0x2, s1;
	v12 =	vmov s1;
	s1 =	sadd.s32 $0x3, s1;
	v11 =	vld.idx.msk [tilespmem:v10+s9+$0x0], $0xffff  }
0xf9: {  	v14 =	vmov s31;
	v13 =	vmov s30;
	v10 =	vand.u32 $0xFFFFFFFC, v12  }
0xfa: {  	v14 =	vand.u32 $0xFFFFFFFE, v14;
	v12 =	vbroadcast v10, $0x0;
	v10 =	vand.u32 $0xFFFFFFFD, v13  }
0xfb: {  	v13 =	vbroadcast v10, $0x0;
	v10 =	vbroadcast v14, $0x0;
	v14 =	vmov s1;
	[tilespmem:s28+$0xFFFFFF00] =	vst v15  }
0xfc: {  	_ = 	snop  }
0xfd: {  	[tilespmem:s26+$0x80] =	vst v8  }
0xfe: {  	[tilespmem:s26+$0xFFFFFF80] =	vst v9  }
0xff: {  	[tilespmem:s26+$0x0] =	vst v11  }
0x100: {  	v8 =	vld.idx.msk [tilespmem:v12+s9+$0x0], $0xffff  }
0x101: {  	v9 =	vld.idx.msk [tilespmem:v14+s9+$0x0], $0xffff  }
0x102: {  	v11 =	vld.idx.msk [tilespmem:v13+s9+$0x0], $0xffff  }
0x103: {  	v10 =	vld.idx.msk [tilespmem:v10+s9+$0x0], $0xffff  }
0x104: {  	s0 =	sadd.s32 $0x200, s28  }
0x105: {  	[tilespmem:s0+$0xFFFFFF00] =	vst v8  }
0x106: {  	[tilespmem:s0+$0x80] =	vst v9  }
0x107: {  	[tilespmem:s0+$0xFFFFFF80] =	vst v11  }
0x108: {  	[tilespmem:s0+$0x0] =	vst v10  }
0x109: {  	v14 =	vld [tilespmem:s25+$0x6450]  }
0x10a: {  	v12 =	vld [tilespmem:s25+$0x6400]  }
0x10b: {  	v10 =	vld [tilespmem:s25+$0x6410]  }
0x10c: {  	v8 =	vld [tilespmem:s25+$0x6420]  }
0x10d: {  	s30 =	simm.s32 $0x1;
	v9 =	vld [tilespmem:s25+$0x6430]  }
0x10e: {  	s1 =	simm.s32 $0x0;
	v15 =	vld [tilespmem:s25+$0x6470];
	v11 =	vadd.s32 s30, v14  }
0x10f: {  	s31 =	simm.s32 $0x1BA80;
	v13 =	vadd.s32 s1, v12;
	v16 =	vadd.s32 v5, v11  }
0x110: {  	v21 =	vld [tilespmem:s31+$0xFFFFFF80];
	v18 =	vadd.s32 s1, v10;
	v17 =	vadd.s32 v0, v13  }
0x111: {  	v24 =	vld [tilespmem:s31+$0x0];
	v19 =	vadd.s32 s1, v8;
	v18 =	vadd.s32 v1, v18  }
0x112: {  	v20 =	vadd.s32 s1, v9;
	v11 =	vld [tilespmem:s25+$0x6440];
	v19 =	vadd.s32 v2, v19  }
0x113: {  	v22 =	vadd.s32 s30, v15;
	v13 =	vld [tilespmem:s25+$0x6460];
	v20 =	vadd.s32 v3, v20  }
0x114: {  	v25 =	vadd.s32 s1, v14;
	v22 =	vadd.s32 v7, v22;
	v16 =	vld.idx.msk [tilespmem:v16+s15+$0x0], $0xffff  }
0x115: {  	v27 =	vadd.s32 s1, v15;
	v25 =	vadd.s32 v5, v25;
	v17 =	vld.idx.msk [tilespmem:v17+s15+$0x0], $0xffff  }
0x116: {  	v28 =	vadd.s32 s30, v12;
	v27 =	vadd.s32 v7, v27;
	v18 =	vld.idx.msk [tilespmem:v18+s15+$0x0], $0xffff  }
0x117: {  	v29 =	vadd.s32 s30, v10;
	v28 =	vadd.s32 v0, v28;
	v19 =	vld.idx.msk [tilespmem:v19+s15+$0x0], $0xffff  }
0x118: {  	v30 =	vadd.s32 s30, v8;
	v29 =	vadd.s32 v1, v29;
	v20 =	vld.idx.msk [tilespmem:v20+s15+$0x0], $0xffff  }
0x119: {  	v31 =	vadd.s32 s30, v9;
	v30 =	vadd.s32 v2, v30;
	v22 =	vld.idx.msk [tilespmem:v22+s15+$0x0], $0xffff  }
0x11a: {  	v31 =	vadd.s32 v3, v31;
	v23 =	vadd.s32 s1, v11;
	v25 =	vld.idx.msk [tilespmem:v25+s15+$0x0], $0xffff  }
0x11b: {  	v26 =	vadd.s32 s1, v13;
	v27 =	vld.idx.msk [tilespmem:v27+s15+$0x0], $0xffff;
	v23 =	vadd.s32 v4, v23  }
0x11c: {  	v32 =	vadd.s32 s30, v11;
	v28 =	vld.idx.msk [tilespmem:v28+s15+$0x0], $0xffff;
	v26 =	vadd.s32 v6, v26  }
0x11d: {  	v33 =	vadd.s32 s30, v13;
	v29 =	vld.idx.msk [tilespmem:v29+s15+$0x0], $0xffff;
	v32 =	vadd.s32 v4, v32  }
0x11e: {  	v30 =	vld.idx.msk [tilespmem:v30+s15+$0x0], $0xffff;
	v33 =	vadd.s32 v6, v33  }
0x11f: {  	v31 =	vld.idx.msk [tilespmem:v31+s15+$0x0], $0xffff;
	v22 =	vmul.f32 $8.000000000e+00, v22  }
0x120: {  	v16 =	vmul.f32 $8.000000000e+00, v16;
	v23 =	vld.idx.msk [tilespmem:v23+s15+$0x0], $0xffff  }
0x121: {  	v17 =	vmul.f32 $8.000000000e+00, v17;
	v26 =	vld.idx.msk [tilespmem:v26+s15+$0x0], $0xffff;
	v22 =	vadd.f32 v24, v22  }
0x122: {  	s25 =	simm.s32 $0x16880;
	v18 =	vmul.f32 $8.000000000e+00, v18;
	v32 =	vld.idx.msk [tilespmem:v32+s15+$0x0], $0xffff;
	v16 =	vadd.f32 v24, v16  }
0x123: {  	v19 =	vmul.f32 $8.000000000e+00, v19;
	v33 =	vld.idx.msk [tilespmem:v33+s15+$0x0], $0xffff;
	v17 =	vadd.f32 v21, v17;
	[tilespmem:s25+$0x70] =	vst v22  }
0x124: {  	v18 =	vadd.f32 v21, v18;
	v22 =	vmul.f32 $8.000000000e+00, v28;
	[tilespmem:s25+$0x50] =	vst v16  }
0x125: {  	v16 =	vadd.f32 v21, v19;
	[tilespmem:s25+$0xFFFFFF80] =	vst v17;
	v17 =	vmul.f32 $8.000000000e+00, v29  }
0x126: {  	[tilespmem:s25+$0xFFFFFF90] =	vst v18;
	v19 =	vmul.f32 $8.000000000e+00, v30;
	v18 =	vadd.f32 v24, v22  }
0x127: {  	[tilespmem:s25+$0xFFFFFFA0] =	vst v16;
	v16 =	vadd.f32 v24, v17;
	v17 =	vmul.f32 $8.000000000e+00, v31  }
0x128: {  	[tilespmem:s25+$0x0] =	vst v18;
	v18 =	vadd.f32 v24, v19;
	v19 =	vmul.f32 $8.000000000e+00, v32  }
0x129: {  	[tilespmem:s25+$0x10] =	vst v16;
	v16 =	vadd.f32 v24, v17;
	v17 =	vmul.f32 $8.000000000e+00, v33  }
0x12a: {  	v20 =	vmul.f32 $8.000000000e+00, v20;
	[tilespmem:s25+$0x20] =	vst v18;
	v18 =	vadd.f32 v24, v19  }
0x12b: {  	v19 =	vmul.f32 $8.000000000e+00, v23;
	[tilespmem:s25+$0x30] =	vst v16;
	v16 =	vadd.f32 v24, v17  }
0x12c: {  	s0 =	simm.s32 $0x3;
	v17 =	vadd.f32 v21, v20;
	v20 =	vmul.f32 $8.000000000e+00, v25;
	[tilespmem:s25+$0x40] =	vst v18  }
0x12d: {  	v22 =	vadd.s32 s0, v14;
	v18 =	vadd.f32 v21, v19;
	v19 =	vmul.f32 $8.000000000e+00, v26;
	[tilespmem:s25+$0x60] =	vst v16  }
0x12e: {  	v22 =	vadd.s32 v5, v22;
	v16 =	vadd.f32 v21, v20;
	v20 =	vmul.f32 $8.000000000e+00, v27;
	[tilespmem:s25+$0xFFFFFFB0] =	vst v17  }
0x12f: {  	v17 =	vadd.f32 v21, v19;
	[tilespmem:s25+$0xFFFFFFC0] =	vst v18  }
0x130: {  	s26 =	simm.s32 $0x2;
	v18 =	vadd.f32 v21, v20;
	[tilespmem:s25+$0xFFFFFFD0] =	vst v16  }
0x131: {  	v16 =	vadd.s32 s26, v12;
	[tilespmem:s25+$0xFFFFFFE0] =	vst v17  }
0x132: {  	[tilespmem:s25+$0xFFFFFFF0] =	vst v18;
	v18 =	vadd.s32 v0, v16;
	v16 =	vadd.s32 s26, v10  }
0x133: {  	s28 =	simm.s32 $0x1BB80;
	v19 =	vadd.s32 s26, v8;
	v17 =	vld.idx.msk [tilespmem:v22+s15+$0x0], $0xffff;
	v20 =	vadd.s32 v1, v16  }
0x134: {  	s29 =	simm.s32 $0x4;
	v21 =	vadd.s32 s26, v9;
	v19 =	vadd.s32 v2, v19;
	v16 =	vld [tilespmem:s28+$0xFFFFFF80]  }
.LBB2_15:
0x135: {  	p0 =	sne.s32 s29, $0x3E;
	v21 =	vadd.s32 v3, v21;
	v22 =	vadd.s32 s0, v15  }
0x136: {  	v23 =	vadd.s32 s26, v11;
	v22 =	vadd.s32 v7, v22;
	v24 =	vld [tilespmem:s28+$0x0]  }
0x137: {  	v25 =	vadd.s32 s26, v14;
	v23 =	vadd.s32 v4, v23;
	v18 =	vld.idx.msk [tilespmem:v18+s15+$0x0], $0xffff  }
0x138: {  	v26 =	vadd.s32 s26, v13;
	v25 =	vadd.s32 v5, v25;
	v20 =	vld.idx.msk [tilespmem:v20+s15+$0x0], $0xffff  }
0x139: {  	v27 =	vadd.s32 s26, v15;
	s26 =	smov.u32 s29;
	v26 =	vadd.s32 v6, v26;
	v17 =	vmul.f32 $8.000000000e+00, v17;
	v19 =	vld.idx.msk [tilespmem:v19+s15+$0x0], $0xffff  }
0x13a: {  	v28 =	vadd.s32 s0, v12;
	v27 =	vadd.s32 v7, v27;
	v21 =	vld.idx.msk [tilespmem:v21+s15+$0x0], $0xffff  }
0x13b: {  	v29 =	vadd.s32 s0, v10;
	v28 =	vadd.s32 v0, v28;
	v22 =	vld.idx.msk [tilespmem:v22+s15+$0x0], $0xffff;
	v17 =	vadd.f32 v24, v17  }
0x13c: {  	v30 =	vadd.s32 s0, v8;
	v31 =	vadd.s32 s0, v9;
	v29 =	vadd.s32 v1, v29;
	v23 =	vld.idx.msk [tilespmem:v23+s15+$0x0], $0xffff  }
0x13d: {  	v32 =	vadd.s32 s0, v11;
	v30 =	vadd.s32 v2, v30;
	v18 =	vmul.f32 $8.000000000e+00, v18;
	v25 =	vld.idx.msk [tilespmem:v25+s15+$0x0], $0xffff  }
0x13e: {  	v33 =	vadd.s32 s0, v13;
	v31 =	vadd.s32 v3, v31;
	v20 =	vmul.f32 $8.000000000e+00, v20;
	v26 =	vld.idx.msk [tilespmem:v26+s15+$0x0], $0xffff  }
0x13f: {  	v32 =	vadd.s32 v4, v32;
	v18 =	vadd.f32 v16, v18;
	v19 =	vmul.f32 $8.000000000e+00, v19;
	v27 =	vld.idx.msk [tilespmem:v27+s15+$0x0], $0xffff  }
0x140: {  	v33 =	vadd.s32 v6, v33;
	v20 =	vadd.f32 v16, v20;
	v21 =	vmul.f32 $8.000000000e+00, v21;
	v28 =	vld.idx.msk [tilespmem:v28+s15+$0x0], $0xffff  }
0x141: {  	v19 =	vadd.f32 v16, v19;
	v22 =	vmul.f32 $8.000000000e+00, v22;
	v29 =	vld.idx.msk [tilespmem:v29+s15+$0x0], $0xffff  }
0x142: {  	v21 =	vadd.f32 v16, v21;
	v23 =	vmul.f32 $8.000000000e+00, v23;
	v30 =	vld.idx.msk [tilespmem:v30+s15+$0x0], $0xffff  }
0x143: {  	v25 =	vmul.f32 $8.000000000e+00, v25;
	v22 =	vadd.f32 v24, v22;
	v31 =	vld.idx.msk [tilespmem:v31+s15+$0x0], $0xffff  }
0x144: {  	s25 =	sadd.s32 $0x100, s25;
	v23 =	vadd.f32 v16, v23;
	v26 =	vmul.f32 $8.000000000e+00, v26;
	v32 =	vld.idx.msk [tilespmem:v32+s15+$0x0], $0xffff  }
0x145: {  	v25 =	vadd.f32 v16, v25;
	v27 =	vmul.f32 $8.000000000e+00, v27;
	v33 =	vld.idx.msk [tilespmem:v33+s15+$0x0], $0xffff;
	[tilespmem:s25+$0x70] =	vst v22  }
0x146: {  	v22 =	vadd.f32 v16, v26;
	v26 =	vmul.f32 $8.000000000e+00, v28;
	[tilespmem:s25+$0x50] =	vst v17  }
0x147: {  	v16 =	vadd.f32 v16, v27;
	v17 =	vmul.f32 $8.000000000e+00, v29;
	[tilespmem:s25+$0xFFFFFF80] =	vst v18  }
0x148: {  	v18 =	vadd.f32 v24, v26;
	[tilespmem:s25+$0xFFFFFF90] =	vst v20;
	v20 =	vmul.f32 $8.000000000e+00, v30  }
0x149: {  	v17 =	vadd.f32 v24, v17;
	[tilespmem:s25+$0xFFFFFFA0] =	vst v19;
	v19 =	vmul.f32 $8.000000000e+00, v31  }
0x14a: {  	[tilespmem:s25+$0x0] =	vst v18;
	v18 =	vadd.f32 v24, v20;
	v20 =	vmul.f32 $8.000000000e+00, v32  }
0x14b: {  	[tilespmem:s25+$0x10] =	vst v17;
	v17 =	vadd.f32 v24, v19;
	v19 =	vmul.f32 $8.000000000e+00, v33  }
0x14c: {  	[tilespmem:s25+$0x20] =	vst v18;
	v18 =	vadd.f32 v24, v20  }
0x14d: {  	[tilespmem:s25+$0x30] =	vst v17;
	v17 =	vadd.f32 v24, v19  }
0x14e: {  	s0 =	sadd.s32 $0x1, s29;
	[tilespmem:s25+$0x40] =	vst v18  }
0x14f: {  	v18 =	vadd.s32 s0, v14;
	[tilespmem:s25+$0x60] =	vst v17  }
0x150: {  	v17 =	vadd.s32 v5, v18;
	[tilespmem:s25+$0xFFFFFFB0] =	vst v21  }
0x151: {  	[tilespmem:s25+$0xFFFFFFC0] =	vst v23  }
.Ltmp7:
0x152: {  	[tilespmem:s25+$0xFFFFFFD0] =	vst v25;
	(pc) =	sbr.rel @p0 .LBB2_15-.Ltmp7, $4  }
0x153: {  	v18 =	vadd.s32 s29, v12;
	[tilespmem:s25+$0xFFFFFFE0] =	vst v22  }
0x154: {  	v19 =	vadd.s32 s29, v10;
	v18 =	vadd.s32 v0, v18;
	[tilespmem:s25+$0xFFFFFFF0] =	vst v16  }
0x155: {  	s28 =	sadd.s32 $0x100, s28;
	v20 =	vadd.s32 v1, v19;
	v16 =	vadd.s32 s29, v8;
	v17 =	vld.idx.msk [tilespmem:v17+s15+$0x0], $0xffff  }
0x156: {  	v21 =	vadd.s32 s26, v9;
	s29 =	sadd.s32 $0x2, s29;
	v19 =	vadd.s32 v2, v16;
	v16 =	vld [tilespmem:s28+$0xFFFFFF80]  }
0x157: {  	_ =	sdelay $0x1  }
0x158: {  	v21 =	vadd.s32 v3, v21;
	v22 =	vadd.s32 s0, v15  }
0x159: {  	v23 =	vadd.s32 s26, v11;
	v24 =	vld [tilespmem:s28+$0x0];
	v22 =	vadd.s32 v7, v22  }
0x15a: {  	v18 =	vld.idx.msk [tilespmem:v18+s15+$0x0], $0xffff;
	v14 =	vadd.s32 s26, v14;
	v23 =	vadd.s32 v4, v23  }
0x15b: {  	v20 =	vld.idx.msk [tilespmem:v20+s15+$0x0], $0xffff;
	v25 =	vadd.s32 s26, v13;
	v14 =	vadd.s32 v5, v14  }
0x15c: {  	v19 =	vld.idx.msk [tilespmem:v19+s15+$0x0], $0xffff;
	v50 =	vadd.s32 s26, v15;
	v25 =	vadd.s32 v6, v25  }
0x15d: {  	v12 =	vadd.s32 s0, v12;
	v15 =	vadd.s32 v7, v50;
	v21 =	vld.idx.msk [tilespmem:v21+s15+$0x0], $0xffff  }
0x15e: {  	v10 =	vadd.s32 s0, v10;
	v12 =	vadd.s32 v0, v12;
	v22 =	vld.idx.msk [tilespmem:v22+s15+$0x0], $0xffff  }
0x15f: {  	v8 =	vadd.s32 s0, v8;
	v10 =	vadd.s32 v1, v10;
	v23 =	vld.idx.msk [tilespmem:v23+s15+$0x0], $0xffff  }
0x160: {  	v9 =	vadd.s32 s0, v9;
	v8 =	vadd.s32 v2, v8;
	v14 =	vld.idx.msk [tilespmem:v14+s15+$0x0], $0xffff  }
0x161: {  	v51 =	vadd.s32 s0, v11;
	v9 =	vadd.s32 v3, v9;
	v25 =	vld.idx.msk [tilespmem:v25+s15+$0x0], $0xffff  }
0x162: {  	v52 =	vadd.s32 s0, v13;
	v11 =	vadd.s32 v4, v51;
	v15 =	vld.idx.msk [tilespmem:v15+s15+$0x0], $0xffff  }
0x163: {  	v13 =	vadd.s32 v6, v52;
	v12 =	vld.idx.msk [tilespmem:v12+s15+$0x0], $0xffff  }
0x164: {  	v17 =	vmul.f32 $8.000000000e+00, v17;
	v10 =	vld.idx.msk [tilespmem:v10+s15+$0x0], $0xffff  }
0x165: {  	v18 =	vmul.f32 $8.000000000e+00, v18;
	v8 =	vld.idx.msk [tilespmem:v8+s15+$0x0], $0xffff  }
0x166: {  	v17 =	vadd.f32 v24, v17;
	v20 =	vmul.f32 $8.000000000e+00, v20;
	v9 =	vld.idx.msk [tilespmem:v9+s15+$0x0], $0xffff  }
0x167: {  	s30 =	sadd.s32 $0x100, s25;
	v19 =	vmul.f32 $8.000000000e+00, v19;
	v11 =	vld.idx.msk [tilespmem:v11+s15+$0x0], $0xffff;
	v18 =	vadd.f32 v16, v18  }
0x168: {  	v13 =	vld.idx.msk [tilespmem:v13+s15+$0x0], $0xffff;
	v20 =	vadd.f32 v16, v20;
	[tilespmem:s30+$0x50] =	vst v17;
	v55 =	vmul.f32 $8.000000000e+00, v21  }
0x169: {  	v53 =	vadd.f32 v16, v19;
	[tilespmem:s30+$0xFFFFFF80] =	vst v18;
	v22 =	vmul.f32 $8.000000000e+00, v22  }
0x16a: {  	[tilespmem:s30+$0xFFFFFF90] =	vst v20;
	v12 =	vmul.f32 $8.000000000e+00, v12;
	v58 =	vadd.f32 v16, v55  }
0x16b: {  	[tilespmem:s30+$0xFFFFFFA0] =	vst v53;
	v10 =	vmul.f32 $8.000000000e+00, v10;
	v22 =	vadd.f32 v24, v22  }
0x16c: {  	v8 =	vmul.f32 $8.000000000e+00, v8;
	v12 =	vadd.f32 v24, v12;
	[tilespmem:s30+$0xFFFFFFB0] =	vst v58  }
0x16d: {  	v9 =	vmul.f32 $8.000000000e+00, v9;
	v10 =	vadd.f32 v24, v10;
	[tilespmem:s30+$0x70] =	vst v22  }
0x16e: {  	v54 =	vmul.f32 $8.000000000e+00, v13;
	v8 =	vadd.f32 v24, v8;
	[tilespmem:s30+$0x0] =	vst v12  }
0x16f: {  	v11 =	vmul.f32 $8.000000000e+00, v11;
	v9 =	vadd.f32 v24, v9;
	[tilespmem:s30+$0x10] =	vst v10  }
0x170: {  	v59 =	vmul.f32 $8.000000000e+00, v14;
	v57 =	vadd.f32 v24, v54;
	[tilespmem:s30+$0x20] =	vst v8  }
0x171: {  	v56 =	vmul.f32 $8.000000000e+00, v23;
	v8 =	vadd.f32 v24, v11;
	[tilespmem:s30+$0x30] =	vst v9  }
0x172: {  	s23 =	sadd.s32 $0x1, s23;
	v60 =	vmul.f32 $8.000000000e+00, v25;
	v61 =	vadd.f32 v16, v59;
	[tilespmem:s30+$0x60] =	vst v57  }
0x173: {  	p0 =	sne.s32 s23, $0x64;
	v62 =	vmul.f32 $8.000000000e+00, v15;
	[tilespmem:s30+$0x40] =	vst v8;
	v8 =	vadd.f32 v16, v56  }
.Ltmp8:
0x174: {  	s1 =	sshll.u32 s24, $0x12;
	v63 =	vadd.f32 v16, v60;
	[tilespmem:s30+$0xFFFFFFD0] =	vst v61;
	(pc) =	sbr.rel @p0 .LBB2_4-.Ltmp8, $4  }
0x175: {  	s1 =	sor.u32 s4, s1;
	[tilespmem:s30+$0xFFFFFFC0] =	vst v8;
	v8 =	vadd.f32 v16, v62  }
0x176: {  	s1 =	sshrl.u32 s1, $0x3;
	[tilespmem:s30+$0xFFFFFFE0] =	vst v63  }
0x177: {  	s31 =	sadd.s32 s2, s1;
	[tilespmem:s30+$0xFFFFFFF0] =	vst v8  }
0x178: {  	[hbm4b:s31+s11] =	stream.strided.scatter [tilespmem:s20], [sflag:$0x4], $0x2000, s12, s11, $0x38;
	[tilespmem:$0x1DA00] =	vst v63  }
0x179: {  	s22 =	sadd.s32 $0x1, s22  }
0x17a: {  	_ =	swait.ge [sflag:s21], $0x2000;
	p0 =	sne.s32 s22, s8  }
.Ltmp9:
0x17b: {  	[sflag:s21] =	ssyncset.done $0x0;
	(pc) =	sbr.rel @p0 .LBB2_1-.Ltmp9, $4  }
0x17c: {  	[sflag:s21] =	ssyncadd.s32 $0xFFFFE000  }
0x17d: {  	_ =	swait.ge [sflag:s19], $0x2000  }
0x17e: {  	[sflag:s19] =	ssyncset.done $0x0  }
0x17f: {  	[sflag:s19] =	ssyncadd.s32 $0xFFFFE000  }
0x180: {  	_ =	sfence.sel $0x180000  }
0x181: {  	[bflag:$0x0] =	sbarrier.arrive $0xFFFF  }
0x182: {  	_ =	strace $0x90000047  }
0x183: {  	s0 =	stileid.u32;
	[bflag:$0x2] =	sbarrier.arrive $0xFFFF  }
0x184: {  	p0 =	sne.s32 s0, $0x0;
	s0 =	rddreg [dreg:$0x3]  }
0x185: {  	s0 =	sadd.s32 @!p0 $0x100000, s0  }
0x186: {  	[sflag:s0] =	ssyncadd.tile.s32 @!p0 $0x1;
	_ =	shalt  }
.Lfunc_end2:
_tile_overlayer_lowered:
.L_overlay_start_2:
0x187: {  	(tag) =	ssettag $0x2  }
0x188: {  	s0 =	rddreg [dreg:$0x0];
	s2 =	stileid.u32  }
0x189: {  	s1 =	rddreg [dreg:$0x1];
	p0 =	sne.s32 s2, $0x0  }
0x18a: {  	s3 =	rddreg [dreg:$0x2];
	[bflag:$0x3] =	sbarrier.arrive $0xFFFF;
	s2 =	simm.s32 @!p0 $0x1C05  }
0x18b: {  	[timem:s3], [sflag:s2] =	dma.local @!p0 [hbm:s0], s1  }
0x18c: {  	s0 =	simm.s32 @!p0 $0x5  }
0x18d: {  	_ =	swait.ge @!p0 [sflag:s0], s1  }
0x18e: {  	s1 =	ssub.s32 @!p0 $0x0, s1;
	[sflag:s0] =	ssyncset.done @!p0 $0x0  }
0x18f: {  	[sflag:s0] =	ssyncadd.s32 @!p0 s1  }
0x190: {  	[bflag:$0x3] =	sbarrier.arrive $0xFFFF  }
0x191: {  	_ =	shalt  }

</sc_bundles>
